<compile_context>
chip_gen: v7x
topology: tpu7x:2x2x1
jax: 0.10.2.dev20260603
libtpu: 0.0.44.dev20260713+nightly
codegen_flags: <defaults>
</compile_context>

<pallas_src>
import functools

import jax
import jax.numpy as jnp
from jax import lax
from jax.experimental import pallas as pl
from jax.experimental.pallas import tpu as pltpu
from jax.experimental.pallas import tpu_sc as plsc

NC = 2
NS = 16
NW = NC * NS
CH = 80
NBUF = 6
LAG = 2

_MESH = plsc.VectorSubcoreMesh(core_axis_name="c", subcore_axis_name="s")
_SC_PARAMS = pltpu.CompilerParams(use_tc_tiling_on_sc=False)


def _row_part(n):
    rpt = ((n // NS + 7) // 8) * 8
    tail = n - rpt * (NS - 1)
    assert 0 < tail <= rpt and tail % 8 == 0
    return rpt, tail


def _per_tile_rows(s, n, copy_fn):
    rpt, tail = _row_part(n)

    @pl.when(s < NS - 1)
    def _():
        copy_fn(s * rpt, rpt)

    @pl.when(s == NS - 1)
    def _():
        copy_fn((NS - 1) * rpt, tail)




def _deg_body(nchunks, n, dst_hbm, ones_hbm, zeros_hbm, out_hbm,
              dst_v, ones_v, deg_sh, sem):
    c = lax.axis_index("c")
    s = lax.axis_index("s")

    def init(r0, nr):
        @pl.when(c == 0)
        def _():
            pltpu.sync_copy(ones_hbm.at[pl.ds(0, nr)],
                            deg_sh.at[pl.ds(r0, nr)])

        @pl.when(c == 1)
        def _():
            pltpu.sync_copy(zeros_hbm.at[pl.ds(0, nr)],
                            deg_sh.at[pl.ds(r0, nr)])

    _per_tile_rows(s, n, init)
    pltpu.sync_copy(ones_hbm.at[pl.ds(0, CH)], ones_v)
    pltpu.sync_copy(dst_hbm.at[s, pl.ds(c * nchunks, nchunks), :], dst_v)
    plsc.subcore_barrier()

    def step(j, carry):
        pltpu.async_copy(ones_v, deg_sh.at[dst_v.at[j]], sem, add=True)

        @pl.when(j >= 8)
        def _():
            pltpu.make_async_copy(ones_v, deg_sh.at[dst_v.at[j]], sem).wait()

        return carry

    lax.fori_loop(0, nchunks, step, 0)

    def drain(j, carry):
        pltpu.make_async_copy(ones_v, deg_sh.at[dst_v.at[0]], sem).wait()
        return carry

    lax.fori_loop(0, 8, drain, 0)
    plsc.subcore_barrier()

    def writeout(r0, nr):
        pltpu.sync_copy(deg_sh.at[pl.ds(r0, nr)],
                        out_hbm.at[c, pl.ds(r0, nr)])

    _per_tile_rows(s, n, writeout)


def _agg_body(nchunks, n, ys_hbm, src_hbm, dst_hbm, out_hbm,
              src_v, dst_v, rows_v, acc_sh, sem_g, sem_s):
    c = lax.axis_index("c")
    s = lax.axis_index("s")
    yc = ys_hbm.at[c]

    def init(r0, nr):
        pltpu.sync_copy(yc.at[pl.ds(r0, nr), :], acc_sh.at[pl.ds(r0, nr), :])

    _per_tile_rows(s, n, init)
    pltpu.sync_copy(src_hbm.at[s], src_v)
    pltpu.sync_copy(dst_hbm.at[s], dst_v)
    plsc.subcore_barrier()

    for b in range(NBUF - LAG):
        pltpu.async_copy(yc.at[src_v.at[b]], rows_v.at[b], sem_g)

    def step(j, carry):
        b = lax.rem(j, NBUF)
        pltpu.make_async_copy(yc.at[src_v.at[j]], rows_v.at[b], sem_g).wait()
        pltpu.async_copy(rows_v.at[b], acc_sh.at[dst_v.at[j]], sem_s,
                         add=True)

        @pl.when(j >= LAG)
        def _():
            pltpu.make_async_copy(rows_v.at[0], acc_sh.at[dst_v.at[0]],
                                  sem_s).wait()

        @pl.when(j + NBUF - LAG < nchunks)
        def _():
            pltpu.async_copy(yc.at[src_v.at[j + NBUF - LAG]],
                             rows_v.at[lax.rem(j + NBUF - LAG, NBUF)], sem_g)

        return carry

    lax.fori_loop(0, nchunks, step, 0)

    def drain(j, carry):
        pltpu.make_async_copy(rows_v.at[0], acc_sh.at[dst_v.at[0]],
                              sem_s).wait()
        return carry

    lax.fori_loop(0, LAG, drain, 0)
    plsc.subcore_barrier()

    dh = acc_sh.shape[1]

    def writeout(r0, nr):
        pltpu.sync_copy(acc_sh.at[pl.ds(r0, nr), :],
                        out_hbm.at[pl.ds(r0, nr), pl.ds(c * dh, dh)])

    _per_tile_rows(s, n, writeout)




def _dinv(degp_ref):
    p = degp_ref[0] + degp_ref[1]
    return lax.rsqrt(p)[:, None]


def _tc1_body(x_ref, w1_ref, degp_ref, ys_ref):
    y = jnp.dot(x_ref[...], w1_ref[...], preferred_element_type=jnp.float32)
    ys = y * _dinv(degp_ref)
    dh = ys.shape[1] // 2
    ys_ref[0] = ys[:, :dh]
    ys_ref[1] = ys[:, dh:]


def _bn(z, g, be):
    m = jnp.mean(z, axis=0, keepdims=True)
    zc = z - m
    v = jnp.mean(zc * zc, axis=0, keepdims=True)
    return zc * lax.rsqrt(v + 1e-5) * g + be


def _tc2_body(acc_ref, degp_ref, b1_ref, g1_ref, be1_ref, w2_ref, ys_ref):
    dinv = _dinv(degp_ref)
    z = acc_ref[...] * dinv + b1_ref[...]
    h = _bn(z, g1_ref[...], be1_ref[...])
    h = jnp.where(h > 0, h, 0.01 * h)
    y = jnp.dot(h, w2_ref[...], preferred_element_type=jnp.float32)
    ys = y * dinv
    dh = ys.shape[1] // 2
    ys_ref[0] = ys[:, :dh]
    ys_ref[1] = ys[:, dh:]


def _tc3_body(acc_ref, degp_ref, b2_ref, g2_ref, be2_ref, x_ref, out_ref):
    z = acc_ref[...] * _dinv(degp_ref) + b2_ref[...]
    h = _bn(z, g2_ref[...], be2_ref[...])
    t = h + x_ref[...]
    out_ref[...] = jnp.where(t > 0, t, 0.01 * t)




@functools.lru_cache(maxsize=None)
def _build(n, e, d):
    assert e % NW == 0 and (e // NS) % CH == 0 and n % 8 == 0 and d % 2 == 0
    epw = e // NW
    eps = e // NS
    dh = d // 2

    deg_call = pl.kernel(
        functools.partial(_deg_body, epw // CH, n),
        out_type=jax.ShapeDtypeStruct((NC, n), jnp.float32),
        mesh=_MESH,
        scratch_types=[
            pltpu.VMEM((epw // CH, CH), jnp.int32),
            pltpu.VMEM((CH,), jnp.float32),
            pltpu.VMEM_SHARED((n,), jnp.float32),
            pltpu.SemaphoreType.DMA,
        ],
        compiler_params=_SC_PARAMS,
    )

    agg_call = pl.kernel(
        functools.partial(_agg_body, eps // CH, n),
        out_type=jax.ShapeDtypeStruct((n, d), jnp.float32),
        mesh=_MESH,
        scratch_types=[
            pltpu.VMEM((eps // CH, CH), jnp.int32),
            pltpu.VMEM((eps // CH, CH), jnp.int32),
            pltpu.VMEM((NBUF, CH, dh), jnp.float32),
            pltpu.VMEM_SHARED((n, dh), jnp.float32),
            pltpu.SemaphoreType.DMA,
            pltpu.SemaphoreType.DMA,
        ],
        compiler_params=_SC_PARAMS,
    )

    tc1 = pl.pallas_call(
        _tc1_body,
        out_shape=jax.ShapeDtypeStruct((NC, n, dh), jnp.float32),
    )
    tc2 = pl.pallas_call(
        _tc2_body,
        out_shape=jax.ShapeDtypeStruct((NC, n, dh), jnp.float32),
    )
    tc3 = pl.pallas_call(
        _tc3_body,
        out_shape=jax.ShapeDtypeStruct((n, d), jnp.float32),
    )
    return deg_call, agg_call, tc1, tc2, tc3


def kernel(x, edge_index, W1, b1, g1, be1, W2, b2, g2, be2):
    n, d = x.shape
    e = edge_index.shape[1]
    deg_call, agg_call, tc1, tc2, tc3 = _build(n, e, d)

    src = edge_index[0]
    dst = edge_index[1]
    src_s = src.reshape(NS, (e // NS) // CH, CH)
    dst_s = dst.reshape(NS, (e // NS) // CH, CH)
    rpt, _ = _row_part(n)
    ones16 = jnp.ones((rpt,), jnp.float32)
    zeros16 = jnp.zeros((rpt,), jnp.float32)
    b1r, g1r, be1r = b1.reshape(1, d), g1.reshape(1, d), be1.reshape(1, d)
    b2r, g2r, be2r = b2.reshape(1, d), g2.reshape(1, d), be2.reshape(1, d)

    degp = deg_call(dst_s, ones16, zeros16)
    ys = tc1(x, W1, degp)
    acc1 = agg_call(ys, src_s, dst_s)
    ys2 = tc2(acc1, degp, b1r, g1r, be1r, W2)
    acc2 = agg_call(ys2, src_s, dst_s)
    out = tc3(acc2, degp, b2r, g2r, be2r, x)
    return out

# --- scband reference (transcript-rebuilt; emitter-appended) ---
"""Pipeline reference for scband-gnnbasic-block-63084479644214 (READ-ONLY COPY).

The authoritative reference and input builder live on the scoring server;
editing this copy changes nothing except your own understanding.
"""

import jax, jax.numpy as jnp
import numpy as np

N = 10000
E = 320000
D = 128


def setup_inputs(seed: int = 0) -> dict:
    key = jax.random.key(seed)
    ks = jax.random.split(key, 12)
    x = jax.random.normal(ks[0], (N, D), dtype=jnp.float32)
    edge_index = jax.random.randint(ks[1], (2, E), 0, N, dtype=jnp.int32)
    scale = 1.0 / np.sqrt(D)
    W1 = jax.random.normal(ks[2], (D, D), dtype=jnp.float32) * scale
    b1 = jnp.zeros((D,), dtype=jnp.float32)
    g1 = jnp.ones((D,), dtype=jnp.float32)
    be1 = jnp.zeros((D,), dtype=jnp.float32)
    W2 = jax.random.normal(ks[3], (D, D), dtype=jnp.float32) * scale
    b2 = jnp.zeros((D,), dtype=jnp.float32)
    g2 = jnp.ones((D,), dtype=jnp.float32)
    be2 = jnp.zeros((D,), dtype=jnp.float32)
    return {"x": x, "edge_index": edge_index, "W1": W1, "b1": b1, "g1": g1, "be1": be1, "W2": W2, "b2": b2, "g2": g2, "be2": be2}


def _gcn_conv(x, src, dst, W, b):
    n = x.shape[0]
    loop = jnp.arange(n, dtype=src.dtype)
    s = jnp.concatenate([src, loop])
    d = jnp.concatenate([dst, loop])
    deg = jnp.zeros((n,), dtype=x.dtype).at[d].add(1.0)
    dinv = jnp.where(deg > 0, 1.0 / jnp.sqrt(deg), 0.0)
    norm = dinv[s] * dinv[d]
    xw = x @ W
    msg = xw[s] * norm[:, None]
    out = jax.ops.segment_sum(msg, d, num_segments=n)
    return out + b


def _bn(h, g, b):
    m = jnp.mean(h, axis=0)
    v = jnp.var(h, axis=0)
    return (h - m) / jnp.sqrt(v + 1e-5) * g + b


def _lrelu(t):
    return jnp.where(t > 0, t, 0.01 * t)


def reference(x, edge_index, W1, b1, g1, be1, W2, b2, g2, be2):
    src = edge_index[0]
    dst = edge_index[1]
    h = _gcn_conv(x, src, dst, W1, b1)
    h = _bn(h, g1, be1)
    h = _lrelu(h)
    h = _gcn_conv(h, src, dst, W2, b2)
    h = _bn(h, g2, be2)
    out = _lrelu(h + x)
    return out

if __name__ == "__main__":
    import jax
    _d = setup_inputs()
    print(jax.jit(kernel)(*tuple(_d.values())))

</pallas_src>

<mosaic_0001>
#map = affine_map<(d0, d1) -> (0, 0, 0)>
#map1 = affine_map<(d0, d1) -> (0, 0)>
module attributes {stable_mosaic.version = 14 : i64} {
  func.func @_agg_body(%arg0: i32, %arg1: i32, %arg2: memref<2x10000x64xf32, #tpu.memory_space<hbm>>, %arg3: memref<16x250x80xi32, #tpu.memory_space<hbm>>, %arg4: memref<16x250x80xi32, #tpu.memory_space<hbm>>, %arg5: memref<10000x128xf32, #tpu.memory_space<hbm>>, %arg6: memref<250x80xi32, #tpu.memory_space<vmem>>, %arg7: memref<250x80xi32, #tpu.memory_space<vmem>>, %arg8: memref<6x80x64xf32, #tpu.memory_space<vmem>>, %arg9: memref<10000x64xf32, #tpu.memory_space<vmem_shared>>, %arg10: memref<!tpu.dma_semaphore, #tpu.memory_space<semaphore_mem>>, %arg11: memref<!tpu.dma_semaphore, #tpu.memory_space<semaphore_mem>>) attributes {dimension_semantics = [#tpu.dimension_semantics<core_parallel>, #tpu.dimension_semantics<subcore_parallel>], iteration_bounds = array<i64: 2, 16>, scalar_prefetch = 0 : i64, scratch_operands = 6 : i64, tpu.core_type = #tpu.core_type<sc_vector_subcore>, window_params = [{transform_indices = #map}, {transform_indices = #map}, {transform_indices = #map}, {transform_indices = #map1}]} {
    %lt3A = arith.constant 15 : i32
    %lt3A_0 = arith.cmpi slt, %arg1, %lt3A : i32
    %convert_element_type3A = arith.extui %lt3A_0 : i1 to i32
    %cond3A = arith.constant 0 : i32
    %cond3A_1 = arith.cmpi ne, %convert_element_type3A, %cond3A : i32
    scf.if %cond3A_1 {
      %mul3A = arith.constant 632 : i32
      %mul3A_91 = arith.muli %arg1, %mul3A : i32
      "tpu.region"() ({
        %run_scoped3A = tpu.sem_alloc : memref<!tpu.dma_semaphore, #tpu.memory_space<semaphore_mem>>
        %dma_start3A_92 = arith.constant 0 : i32
        %dma_start3A_93 = tpu.memref_slice %arg9[%mul3A_91, %dma_start3A_92] : memref<10000x64xf32, #tpu.memory_space<vmem_shared>> -> memref<632x64xf32, #tpu.memory_space<vmem_shared>>
        %dma_start3A_94 = arith.constant 0 : i32
        %dma_start3A_95 = arith.constant 0 : i32
        %dma_start3A_96 = tpu.memref_slice %arg2[%arg0, %dma_start3A_94, %dma_start3A_95] : memref<2x10000x64xf32, #tpu.memory_space<hbm>> -> memref<1x10000x64xf32, #tpu.memory_space<hbm>>
        %dma_start3A_97 = tpu.memref_squeeze %dma_start3A_96 : memref<1x10000x64xf32, #tpu.memory_space<hbm>> -> memref<10000x64xf32, #tpu.memory_space<hbm>>
        %dma_start3A_98 = arith.constant 0 : i32
        %dma_start3A_99 = tpu.memref_slice %dma_start3A_97[%mul3A_91, %dma_start3A_98] : memref<10000x64xf32, #tpu.memory_space<hbm>> -> memref<632x64xf32, #tpu.memory_space<hbm>>
        tpu.enqueue_dma source(%dma_start3A_99 : memref<632x64xf32, #tpu.memory_space<hbm>>) target(%dma_start3A_93 : memref<632x64xf32, #tpu.memory_space<vmem_shared>>) target_semaphore(%run_scoped3A : memref<!tpu.dma_semaphore, #tpu.memory_space<semaphore_mem>>)
        %dma_wait3A = arith.constant 0 : i32
        %dma_wait3A_100 = tpu.memref_slice %arg9[%mul3A_91, %dma_wait3A] : memref<10000x64xf32, #tpu.memory_space<vmem_shared>> -> memref<632x64xf32, #tpu.memory_space<vmem_shared>>
        %dma_wait3A_101 = arith.constant 0 : i32
        %dma_wait3A_102 = arith.constant 0 : i32
        %dma_wait3A_103 = tpu.memref_slice %arg2[%arg0, %dma_wait3A_101, %dma_wait3A_102] : memref<2x10000x64xf32, #tpu.memory_space<hbm>> -> memref<1x10000x64xf32, #tpu.memory_space<hbm>>
        %dma_wait3A_104 = tpu.memref_squeeze %dma_wait3A_103 : memref<1x10000x64xf32, #tpu.memory_space<hbm>> -> memref<10000x64xf32, #tpu.memory_space<hbm>>
        %dma_wait3A_105 = arith.constant 0 : i32
        %dma_wait3A_106 = tpu.memref_slice %dma_wait3A_104[%mul3A_91, %dma_wait3A_105] : memref<10000x64xf32, #tpu.memory_space<hbm>> -> memref<632x64xf32, #tpu.memory_space<hbm>>
        tpu.wait_dma2 semaphore(%run_scoped3A : memref<!tpu.dma_semaphore, #tpu.memory_space<semaphore_mem>>) src(%dma_wait3A_106 : memref<632x64xf32, #tpu.memory_space<hbm>>) dst(%dma_wait3A_100 : memref<632x64xf32, #tpu.memory_space<vmem_shared>>)
        tpu.yield
      }) : () -> ()
    } else {
    }
    %eq3A = arith.constant 15 : i32
    %eq3A_2 = arith.cmpi eq, %arg1, %eq3A : i32
    %convert_element_type3A_3 = arith.extui %eq3A_2 : i1 to i32
    %cond3A_4 = arith.constant 0 : i32
    %cond3A_5 = arith.cmpi ne, %convert_element_type3A_3, %cond3A_4 : i32
    scf.if %cond3A_5 {
      "tpu.region"() ({
        %run_scoped3A = tpu.sem_alloc : memref<!tpu.dma_semaphore, #tpu.memory_space<semaphore_mem>>
        %dma_start3A_91 = arith.constant 9480 : i32
        %dma_start3A_92 = arith.constant 0 : i32
        %dma_start3A_93 = tpu.memref_slice %arg9[%dma_start3A_91, %dma_start3A_92] : memref<10000x64xf32, #tpu.memory_space<vmem_shared>> -> memref<520x64xf32, #tpu.memory_space<vmem_shared>>
        %dma_start3A_94 = arith.constant 0 : i32
        %dma_start3A_95 = arith.constant 0 : i32
        %dma_start3A_96 = tpu.memref_slice %arg2[%arg0, %dma_start3A_94, %dma_start3A_95] : memref<2x10000x64xf32, #tpu.memory_space<hbm>> -> memref<1x10000x64xf32, #tpu.memory_space<hbm>>
        %dma_start3A_97 = tpu.memref_squeeze %dma_start3A_96 : memref<1x10000x64xf32, #tpu.memory_space<hbm>> -> memref<10000x64xf32, #tpu.memory_space<hbm>>
        %dma_start3A_98 = arith.constant 9480 : i32
        %dma_start3A_99 = arith.constant 0 : i32
        %dma_start3A_100 = tpu.memref_slice %dma_start3A_97[%dma_start3A_98, %dma_start3A_99] : memref<10000x64xf32, #tpu.memory_space<hbm>> -> memref<520x64xf32, #tpu.memory_space<hbm>>
        tpu.enqueue_dma source(%dma_start3A_100 : memref<520x64xf32, #tpu.memory_space<hbm>>) target(%dma_start3A_93 : memref<520x64xf32, #tpu.memory_space<vmem_shared>>) target_semaphore(%run_scoped3A : memref<!tpu.dma_semaphore, #tpu.memory_space<semaphore_mem>>)
        %dma_wait3A = arith.constant 9480 : i32
        %dma_wait3A_101 = arith.constant 0 : i32
        %dma_wait3A_102 = tpu.memref_slice %arg9[%dma_wait3A, %dma_wait3A_101] : memref<10000x64xf32, #tpu.memory_space<vmem_shared>> -> memref<520x64xf32, #tpu.memory_space<vmem_shared>>
        %dma_wait3A_103 = arith.constant 0 : i32
        %dma_wait3A_104 = arith.constant 0 : i32
        %dma_wait3A_105 = tpu.memref_slice %arg2[%arg0, %dma_wait3A_103, %dma_wait3A_104] : memref<2x10000x64xf32, #tpu.memory_space<hbm>> -> memref<1x10000x64xf32, #tpu.memory_space<hbm>>
        %dma_wait3A_106 = tpu.memref_squeeze %dma_wait3A_105 : memref<1x10000x64xf32, #tpu.memory_space<hbm>> -> memref<10000x64xf32, #tpu.memory_space<hbm>>
        %dma_wait3A_107 = arith.constant 9480 : i32
        %dma_wait3A_108 = arith.constant 0 : i32
        %dma_wait3A_109 = tpu.memref_slice %dma_wait3A_106[%dma_wait3A_107, %dma_wait3A_108] : memref<10000x64xf32, #tpu.memory_space<hbm>> -> memref<520x64xf32, #tpu.memory_space<hbm>>
        tpu.wait_dma2 semaphore(%run_scoped3A : memref<!tpu.dma_semaphore, #tpu.memory_space<semaphore_mem>>) src(%dma_wait3A_109 : memref<520x64xf32, #tpu.memory_space<hbm>>) dst(%dma_wait3A_102 : memref<520x64xf32, #tpu.memory_space<vmem_shared>>)
        tpu.yield
      }) : () -> ()
    } else {
    }
    "tpu.region"() ({
      %run_scoped3A = tpu.sem_alloc : memref<!tpu.dma_semaphore, #tpu.memory_space<semaphore_mem>>
      %dma_start3A_91 = arith.constant 0 : i32
      %dma_start3A_92 = arith.constant 0 : i32
      %dma_start3A_93 = tpu.memref_slice %arg3[%arg1, %dma_start3A_91, %dma_start3A_92] : memref<16x250x80xi32, #tpu.memory_space<hbm>> -> memref<1x250x80xi32, #tpu.memory_space<hbm>>
      %dma_start3A_94 = tpu.memref_squeeze %dma_start3A_93 : memref<1x250x80xi32, #tpu.memory_space<hbm>> -> memref<250x80xi32, #tpu.memory_space<hbm>>
      %dma_start3A_95 = arith.constant 0 : i32
      %dma_start3A_96 = arith.constant 0 : i32
      %dma_start3A_97 = tpu.memref_slice %arg3[%arg1, %dma_start3A_95, %dma_start3A_96] : memref<16x250x80xi32, #tpu.memory_space<hbm>> -> memref<1x250x80xi32, #tpu.memory_space<hbm>>
      %dma_start3A_98 = tpu.memref_squeeze %dma_start3A_97 : memref<1x250x80xi32, #tpu.memory_space<hbm>> -> memref<250x80xi32, #tpu.memory_space<hbm>>
      tpu.enqueue_dma source(%dma_start3A_98 : memref<250x80xi32, #tpu.memory_space<hbm>>) target(%arg6 : memref<250x80xi32, #tpu.memory_space<vmem>>) target_semaphore(%run_scoped3A : memref<!tpu.dma_semaphore, #tpu.memory_space<semaphore_mem>>)
      %dma_wait3A = arith.constant 0 : i32
      %dma_wait3A_99 = arith.constant 0 : i32
      %dma_wait3A_100 = tpu.memref_slice %arg3[%arg1, %dma_wait3A, %dma_wait3A_99] : memref<16x250x80xi32, #tpu.memory_space<hbm>> -> memref<1x250x80xi32, #tpu.memory_space<hbm>>
      %dma_wait3A_101 = tpu.memref_squeeze %dma_wait3A_100 : memref<1x250x80xi32, #tpu.memory_space<hbm>> -> memref<250x80xi32, #tpu.memory_space<hbm>>
      %dma_wait3A_102 = arith.constant 0 : i32
      %dma_wait3A_103 = arith.constant 0 : i32
      %dma_wait3A_104 = tpu.memref_slice %arg3[%arg1, %dma_wait3A_102, %dma_wait3A_103] : memref<16x250x80xi32, #tpu.memory_space<hbm>> -> memref<1x250x80xi32, #tpu.memory_space<hbm>>
      %dma_wait3A_105 = tpu.memref_squeeze %dma_wait3A_104 : memref<1x250x80xi32, #tpu.memory_space<hbm>> -> memref<250x80xi32, #tpu.memory_space<hbm>>
      tpu.wait_dma2 semaphore(%run_scoped3A : memref<!tpu.dma_semaphore, #tpu.memory_space<semaphore_mem>>) src(%dma_wait3A_105 : memref<250x80xi32, #tpu.memory_space<hbm>>) dst(%arg6 : memref<250x80xi32, #tpu.memory_space<vmem>>)
      tpu.yield
    }) : () -> ()
    "tpu.region"() ({
      %run_scoped3A = tpu.sem_alloc : memref<!tpu.dma_semaphore, #tpu.memory_space<semaphore_mem>>
      %dma_start3A_91 = arith.constant 0 : i32
      %dma_start3A_92 = arith.constant 0 : i32
      %dma_start3A_93 = tpu.memref_slice %arg4[%arg1, %dma_start3A_91, %dma_start3A_92] : memref<16x250x80xi32, #tpu.memory_space<hbm>> -> memref<1x250x80xi32, #tpu.memory_space<hbm>>
      %dma_start3A_94 = tpu.memref_squeeze %dma_start3A_93 : memref<1x250x80xi32, #tpu.memory_space<hbm>> -> memref<250x80xi32, #tpu.memory_space<hbm>>
      %dma_start3A_95 = arith.constant 0 : i32
      %dma_start3A_96 = arith.constant 0 : i32
      %dma_start3A_97 = tpu.memref_slice %arg4[%arg1, %dma_start3A_95, %dma_start3A_96] : memref<16x250x80xi32, #tpu.memory_space<hbm>> -> memref<1x250x80xi32, #tpu.memory_space<hbm>>
      %dma_start3A_98 = tpu.memref_squeeze %dma_start3A_97 : memref<1x250x80xi32, #tpu.memory_space<hbm>> -> memref<250x80xi32, #tpu.memory_space<hbm>>
      tpu.enqueue_dma source(%dma_start3A_98 : memref<250x80xi32, #tpu.memory_space<hbm>>) target(%arg7 : memref<250x80xi32, #tpu.memory_space<vmem>>) target_semaphore(%run_scoped3A : memref<!tpu.dma_semaphore, #tpu.memory_space<semaphore_mem>>)
      %dma_wait3A = arith.constant 0 : i32
      %dma_wait3A_99 = arith.constant 0 : i32
      %dma_wait3A_100 = tpu.memref_slice %arg4[%arg1, %dma_wait3A, %dma_wait3A_99] : memref<16x250x80xi32, #tpu.memory_space<hbm>> -> memref<1x250x80xi32, #tpu.memory_space<hbm>>
      %dma_wait3A_101 = tpu.memref_squeeze %dma_wait3A_100 : memref<1x250x80xi32, #tpu.memory_space<hbm>> -> memref<250x80xi32, #tpu.memory_space<hbm>>
      %dma_wait3A_102 = arith.constant 0 : i32
      %dma_wait3A_103 = arith.constant 0 : i32
      %dma_wait3A_104 = tpu.memref_slice %arg4[%arg1, %dma_wait3A_102, %dma_wait3A_103] : memref<16x250x80xi32, #tpu.memory_space<hbm>> -> memref<1x250x80xi32, #tpu.memory_space<hbm>>
      %dma_wait3A_105 = tpu.memref_squeeze %dma_wait3A_104 : memref<1x250x80xi32, #tpu.memory_space<hbm>> -> memref<250x80xi32, #tpu.memory_space<hbm>>
      tpu.wait_dma2 semaphore(%run_scoped3A : memref<!tpu.dma_semaphore, #tpu.memory_space<semaphore_mem>>) src(%dma_wait3A_105 : memref<250x80xi32, #tpu.memory_space<hbm>>) dst(%arg7 : memref<250x80xi32, #tpu.memory_space<vmem>>)
      tpu.yield
    }) : () -> ()
    %barrier3A = arith.constant 0 : index
    tpu.barrier barrier_id(%barrier3A)
    %dma_start3A = arith.constant 0 : i32
    %dma_start3A_6 = arith.constant 0 : i32
    %dma_start3A_7 = arith.constant 0 : i32
    %dma_start3A_8 = arith.constant 0 : i32
    %dma_start3A_9 = tpu.memref_slice %arg8[%dma_start3A_6, %dma_start3A_7, %dma_start3A_8] : memref<6x80x64xf32, #tpu.memory_space<vmem>> -> memref<1x80x64xf32, #tpu.memory_space<vmem>>
    %dma_start3A_10 = tpu.memref_squeeze %dma_start3A_9 : memref<1x80x64xf32, #tpu.memory_space<vmem>> -> memref<80x64xf32, #tpu.memory_space<vmem>>
    %dma_start3A_11 = arith.constant 0 : i32
    %dma_start3A_12 = tpu.memref_slice %arg6[%dma_start3A, %dma_start3A_11] : memref<250x80xi32, #tpu.memory_space<vmem>> -> memref<1x80xi32, #tpu.memory_space<vmem>>
    %dma_start3A_13 = tpu.memref_squeeze %dma_start3A_12 : memref<1x80xi32, #tpu.memory_space<vmem>> -> memref<80xi32, #tpu.memory_space<vmem>>
    %dma_start3A_14 = arith.constant 0 : i32
    %dma_start3A_15 = arith.constant 0 : i32
    %dma_start3A_16 = tpu.memref_slice %arg2[%arg0, %dma_start3A_14, %dma_start3A_15] : memref<2x10000x64xf32, #tpu.memory_space<hbm>> -> memref<1x10000x64xf32, #tpu.memory_space<hbm>>
    %dma_start3A_17 = tpu.memref_squeeze %dma_start3A_16 : memref<1x10000x64xf32, #tpu.memory_space<hbm>> -> memref<10000x64xf32, #tpu.memory_space<hbm>>
    %dma_start3A_18 = arith.constant 0 : i32
    %dma_start3A_19 = arith.constant 0 : i32
    %dma_start3A_20 = tpu.memref_slice %dma_start3A_17[%dma_start3A_18, %dma_start3A_19] : memref<10000x64xf32, #tpu.memory_space<hbm>> -> memref<10000x64xf32, #tpu.memory_space<hbm>>
    tpu.enqueue_indirect_dma source(%dma_start3A_20 : memref<10000x64xf32, #tpu.memory_space<hbm>>) target(%dma_start3A_10 : memref<80x64xf32, #tpu.memory_space<vmem>>) offsets(%dma_start3A_13 : memref<80xi32, #tpu.memory_space<vmem>>) semaphore(%arg10 : memref<!tpu.dma_semaphore, #tpu.memory_space<semaphore_mem>>)
    %dma_start3A_21 = arith.constant 1 : i32
    %dma_start3A_22 = arith.constant 1 : i32
    %dma_start3A_23 = arith.constant 0 : i32
    %dma_start3A_24 = arith.constant 0 : i32
    %dma_start3A_25 = tpu.memref_slice %arg8[%dma_start3A_22, %dma_start3A_23, %dma_start3A_24] : memref<6x80x64xf32, #tpu.memory_space<vmem>> -> memref<1x80x64xf32, #tpu.memory_space<vmem>>
    %dma_start3A_26 = tpu.memref_squeeze %dma_start3A_25 : memref<1x80x64xf32, #tpu.memory_space<vmem>> -> memref<80x64xf32, #tpu.memory_space<vmem>>
    %dma_start3A_27 = arith.constant 0 : i32
    %dma_start3A_28 = tpu.memref_slice %arg6[%dma_start3A_21, %dma_start3A_27] : memref<250x80xi32, #tpu.memory_space<vmem>> -> memref<1x80xi32, #tpu.memory_space<vmem>>
    %dma_start3A_29 = tpu.memref_squeeze %dma_start3A_28 : memref<1x80xi32, #tpu.memory_space<vmem>> -> memref<80xi32, #tpu.memory_space<vmem>>
    %dma_start3A_30 = arith.constant 0 : i32
    %dma_start3A_31 = arith.constant 0 : i32
    %dma_start3A_32 = tpu.memref_slice %arg2[%arg0, %dma_start3A_30, %dma_start3A_31] : memref<2x10000x64xf32, #tpu.memory_space<hbm>> -> memref<1x10000x64xf32, #tpu.memory_space<hbm>>
    %dma_start3A_33 = tpu.memref_squeeze %dma_start3A_32 : memref<1x10000x64xf32, #tpu.memory_space<hbm>> -> memref<10000x64xf32, #tpu.memory_space<hbm>>
    %dma_start3A_34 = arith.constant 0 : i32
    %dma_start3A_35 = arith.constant 0 : i32
    %dma_start3A_36 = tpu.memref_slice %dma_start3A_33[%dma_start3A_34, %dma_start3A_35] : memref<10000x64xf32, #tpu.memory_space<hbm>> -> memref<10000x64xf32, #tpu.memory_space<hbm>>
    tpu.enqueue_indirect_dma source(%dma_start3A_36 : memref<10000x64xf32, #tpu.memory_space<hbm>>) target(%dma_start3A_26 : memref<80x64xf32, #tpu.memory_space<vmem>>) offsets(%dma_start3A_29 : memref<80xi32, #tpu.memory_space<vmem>>) semaphore(%arg10 : memref<!tpu.dma_semaphore, #tpu.memory_space<semaphore_mem>>)
    %dma_start3A_37 = arith.constant 2 : i32
    %dma_start3A_38 = arith.constant 2 : i32
    %dma_start3A_39 = arith.constant 0 : i32
    %dma_start3A_40 = arith.constant 0 : i32
    %dma_start3A_41 = tpu.memref_slice %arg8[%dma_start3A_38, %dma_start3A_39, %dma_start3A_40] : memref<6x80x64xf32, #tpu.memory_space<vmem>> -> memref<1x80x64xf32, #tpu.memory_space<vmem>>
    %dma_start3A_42 = tpu.memref_squeeze %dma_start3A_41 : memref<1x80x64xf32, #tpu.memory_space<vmem>> -> memref<80x64xf32, #tpu.memory_space<vmem>>
    %dma_start3A_43 = arith.constant 0 : i32
    %dma_start3A_44 = tpu.memref_slice %arg6[%dma_start3A_37, %dma_start3A_43] : memref<250x80xi32, #tpu.memory_space<vmem>> -> memref<1x80xi32, #tpu.memory_space<vmem>>
    %dma_start3A_45 = tpu.memref_squeeze %dma_start3A_44 : memref<1x80xi32, #tpu.memory_space<vmem>> -> memref<80xi32, #tpu.memory_space<vmem>>
    %dma_start3A_46 = arith.constant 0 : i32
    %dma_start3A_47 = arith.constant 0 : i32
    %dma_start3A_48 = tpu.memref_slice %arg2[%arg0, %dma_start3A_46, %dma_start3A_47] : memref<2x10000x64xf32, #tpu.memory_space<hbm>> -> memref<1x10000x64xf32, #tpu.memory_space<hbm>>
    %dma_start3A_49 = tpu.memref_squeeze %dma_start3A_48 : memref<1x10000x64xf32, #tpu.memory_space<hbm>> -> memref<10000x64xf32, #tpu.memory_space<hbm>>
    %dma_start3A_50 = arith.constant 0 : i32
    %dma_start3A_51 = arith.constant 0 : i32
    %dma_start3A_52 = tpu.memref_slice %dma_start3A_49[%dma_start3A_50, %dma_start3A_51] : memref<10000x64xf32, #tpu.memory_space<hbm>> -> memref<10000x64xf32, #tpu.memory_space<hbm>>
    tpu.enqueue_indirect_dma source(%dma_start3A_52 : memref<10000x64xf32, #tpu.memory_space<hbm>>) target(%dma_start3A_42 : memref<80x64xf32, #tpu.memory_space<vmem>>) offsets(%dma_start3A_45 : memref<80xi32, #tpu.memory_space<vmem>>) semaphore(%arg10 : memref<!tpu.dma_semaphore, #tpu.memory_space<semaphore_mem>>)
    %dma_start3A_53 = arith.constant 3 : i32
    %dma_start3A_54 = arith.constant 3 : i32
    %dma_start3A_55 = arith.constant 0 : i32
    %dma_start3A_56 = arith.constant 0 : i32
    %dma_start3A_57 = tpu.memref_slice %arg8[%dma_start3A_54, %dma_start3A_55, %dma_start3A_56] : memref<6x80x64xf32, #tpu.memory_space<vmem>> -> memref<1x80x64xf32, #tpu.memory_space<vmem>>
    %dma_start3A_58 = tpu.memref_squeeze %dma_start3A_57 : memref<1x80x64xf32, #tpu.memory_space<vmem>> -> memref<80x64xf32, #tpu.memory_space<vmem>>
    %dma_start3A_59 = arith.constant 0 : i32
    %dma_start3A_60 = tpu.memref_slice %arg6[%dma_start3A_53, %dma_start3A_59] : memref<250x80xi32, #tpu.memory_space<vmem>> -> memref<1x80xi32, #tpu.memory_space<vmem>>
    %dma_start3A_61 = tpu.memref_squeeze %dma_start3A_60 : memref<1x80xi32, #tpu.memory_space<vmem>> -> memref<80xi32, #tpu.memory_space<vmem>>
    %dma_start3A_62 = arith.constant 0 : i32
    %dma_start3A_63 = arith.constant 0 : i32
    %dma_start3A_64 = tpu.memref_slice %arg2[%arg0, %dma_start3A_62, %dma_start3A_63] : memref<2x10000x64xf32, #tpu.memory_space<hbm>> -> memref<1x10000x64xf32, #tpu.memory_space<hbm>>
    %dma_start3A_65 = tpu.memref_squeeze %dma_start3A_64 : memref<1x10000x64xf32, #tpu.memory_space<hbm>> -> memref<10000x64xf32, #tpu.memory_space<hbm>>
    %dma_start3A_66 = arith.constant 0 : i32
    %dma_start3A_67 = arith.constant 0 : i32
    %dma_start3A_68 = tpu.memref_slice %dma_start3A_65[%dma_start3A_66, %dma_start3A_67] : memref<10000x64xf32, #tpu.memory_space<hbm>> -> memref<10000x64xf32, #tpu.memory_space<hbm>>
    tpu.enqueue_indirect_dma source(%dma_start3A_68 : memref<10000x64xf32, #tpu.memory_space<hbm>>) target(%dma_start3A_58 : memref<80x64xf32, #tpu.memory_space<vmem>>) offsets(%dma_start3A_61 : memref<80xi32, #tpu.memory_space<vmem>>) semaphore(%arg10 : memref<!tpu.dma_semaphore, #tpu.memory_space<semaphore_mem>>)
    %scan3A = arith.constant 0 : i32
    %scan3A_69 = arith.constant 0 : i32
    %scan3A_70 = arith.constant 250 : i32
    %scan3A_71 = arith.addi %scan3A_69, %scan3A_70 : i32
    %scan3A_72 = arith.constant 1 : i32
    scf.for %scan3A_91 = %scan3A_69 to %scan3A_71 step %scan3A_72  : i32 {
      %rem3A = arith.constant 6 : i32
      %rem3A_92 = arith.remsi %scan3A_91, %rem3A : i32
      %dma_wait3A = arith.constant 0 : i32
      %dma_wait3A_93 = arith.constant 0 : i32
      %dma_wait3A_94 = tpu.memref_slice %arg8[%rem3A_92, %dma_wait3A, %dma_wait3A_93] : memref<6x80x64xf32, #tpu.memory_space<vmem>> -> memref<1x80x64xf32, #tpu.memory_space<vmem>>
      %dma_wait3A_95 = tpu.memref_squeeze %dma_wait3A_94 : memref<1x80x64xf32, #tpu.memory_space<vmem>> -> memref<80x64xf32, #tpu.memory_space<vmem>>
      %dma_wait3A_96 = arith.constant 0 : i32
      %dma_wait3A_97 = tpu.memref_slice %arg6[%scan3A_91, %dma_wait3A_96] : memref<250x80xi32, #tpu.memory_space<vmem>> -> memref<1x80xi32, #tpu.memory_space<vmem>>
      %dma_wait3A_98 = tpu.memref_squeeze %dma_wait3A_97 : memref<1x80xi32, #tpu.memory_space<vmem>> -> memref<80xi32, #tpu.memory_space<vmem>>
      %dma_wait3A_99 = arith.constant 0 : i32
      %dma_wait3A_100 = arith.constant 0 : i32
      %dma_wait3A_101 = tpu.memref_slice %arg2[%arg0, %dma_wait3A_99, %dma_wait3A_100] : memref<2x10000x64xf32, #tpu.memory_space<hbm>> -> memref<1x10000x64xf32, #tpu.memory_space<hbm>>
      %dma_wait3A_102 = tpu.memref_squeeze %dma_wait3A_101 : memref<1x10000x64xf32, #tpu.memory_space<hbm>> -> memref<10000x64xf32, #tpu.memory_space<hbm>>
      %dma_wait3A_103 = arith.constant 0 : i32
      %dma_wait3A_104 = arith.constant 0 : i32
      %dma_wait3A_105 = tpu.memref_slice %dma_wait3A_102[%dma_wait3A_103, %dma_wait3A_104] : memref<10000x64xf32, #tpu.memory_space<hbm>> -> memref<10000x64xf32, #tpu.memory_space<hbm>>
      tpu.wait_indirect_dma semaphore(%arg10 : memref<!tpu.dma_semaphore, #tpu.memory_space<semaphore_mem>>) src(%dma_wait3A_105 : memref<10000x64xf32, #tpu.memory_space<hbm>>) dst(%dma_wait3A_95 : memref<80x64xf32, #tpu.memory_space<vmem>>)
      %dma_start3A_106 = arith.constant 0 : i32
      %dma_start3A_107 = arith.constant 0 : i32
      %dma_start3A_108 = tpu.memref_slice %arg8[%rem3A_92, %dma_start3A_106, %dma_start3A_107] : memref<6x80x64xf32, #tpu.memory_space<vmem>> -> memref<1x80x64xf32, #tpu.memory_space<vmem>>
      %dma_start3A_109 = tpu.memref_squeeze %dma_start3A_108 : memref<1x80x64xf32, #tpu.memory_space<vmem>> -> memref<80x64xf32, #tpu.memory_space<vmem>>
      %dma_start3A_110 = arith.constant 0 : i32
      %dma_start3A_111 = tpu.memref_slice %arg7[%scan3A_91, %dma_start3A_110] : memref<250x80xi32, #tpu.memory_space<vmem>> -> memref<1x80xi32, #tpu.memory_space<vmem>>
      %dma_start3A_112 = tpu.memref_squeeze %dma_start3A_111 : memref<1x80xi32, #tpu.memory_space<vmem>> -> memref<80xi32, #tpu.memory_space<vmem>>
      %dma_start3A_113 = arith.constant 0 : i32
      %dma_start3A_114 = arith.constant 0 : i32
      %dma_start3A_115 = tpu.memref_slice %arg9[%dma_start3A_113, %dma_start3A_114] : memref<10000x64xf32, #tpu.memory_space<vmem_shared>> -> memref<10000x64xf32, #tpu.memory_space<vmem_shared>>
      tpu.enqueue_indirect_dma source(%dma_start3A_109 : memref<80x64xf32, #tpu.memory_space<vmem>>) target(%dma_start3A_115 : memref<10000x64xf32, #tpu.memory_space<vmem_shared>>) offsets(%dma_start3A_112 : memref<80xi32, #tpu.memory_space<vmem>>) semaphore(%arg11 : memref<!tpu.dma_semaphore, #tpu.memory_space<semaphore_mem>>) {add = true}
      %ge3A = arith.constant 2 : i32
      %ge3A_116 = arith.cmpi sge, %scan3A_91, %ge3A : i32
      %convert_element_type3A_117 = arith.extui %ge3A_116 : i1 to i32
      %cond3A_118 = arith.constant 0 : i32
      %cond3A_119 = arith.cmpi ne, %convert_element_type3A_117, %cond3A_118 : i32
      scf.if %cond3A_119 {
        %dma_wait3A_127 = arith.constant 0 : i32
        %dma_wait3A_128 = arith.constant 0 : i32
        %dma_wait3A_129 = arith.constant 0 : i32
        %dma_wait3A_130 = arith.constant 0 : i32
        %dma_wait3A_131 = tpu.memref_slice %arg8[%dma_wait3A_127, %dma_wait3A_129, %dma_wait3A_130] : memref<6x80x64xf32, #tpu.memory_space<vmem>> -> memref<1x80x64xf32, #tpu.memory_space<vmem>>
        %dma_wait3A_132 = tpu.memref_squeeze %dma_wait3A_131 : memref<1x80x64xf32, #tpu.memory_space<vmem>> -> memref<80x64xf32, #tpu.memory_space<vmem>>
        %dma_wait3A_133 = arith.constant 0 : i32
        %dma_wait3A_134 = tpu.memref_slice %arg7[%dma_wait3A_128, %dma_wait3A_133] : memref<250x80xi32, #tpu.memory_space<vmem>> -> memref<1x80xi32, #tpu.memory_space<vmem>>
        %dma_wait3A_135 = tpu.memref_squeeze %dma_wait3A_134 : memref<1x80xi32, #tpu.memory_space<vmem>> -> memref<80xi32, #tpu.memory_space<vmem>>
        %dma_wait3A_136 = arith.constant 0 : i32
        %dma_wait3A_137 = arith.constant 0 : i32
        %dma_wait3A_138 = tpu.memref_slice %arg9[%dma_wait3A_136, %dma_wait3A_137] : memref<10000x64xf32, #tpu.memory_space<vmem_shared>> -> memref<10000x64xf32, #tpu.memory_space<vmem_shared>>
        tpu.wait_indirect_dma semaphore(%arg11 : memref<!tpu.dma_semaphore, #tpu.memory_space<semaphore_mem>>) src(%dma_wait3A_132 : memref<80x64xf32, #tpu.memory_space<vmem>>) dst(%dma_wait3A_138 : memref<10000x64xf32, #tpu.memory_space<vmem_shared>>)
      } else {
      }
      %add3A = arith.constant 6 : i32
      %add3A_120 = arith.addi %scan3A_91, %add3A : i32
      %sub3A = arith.constant 2 : i32
      %sub3A_121 = arith.subi %add3A_120, %sub3A : i32
      %lt3A_122 = arith.constant 250 : i32
      %lt3A_123 = arith.cmpi slt, %sub3A_121, %lt3A_122 : i32
      %convert_element_type3A_124 = arith.extui %lt3A_123 : i1 to i32
      %cond3A_125 = arith.constant 0 : i32
      %cond3A_126 = arith.cmpi ne, %convert_element_type3A_124, %cond3A_125 : i32
      scf.if %cond3A_126 {
        %add3A_127 = arith.constant 6 : i32
        %add3A_128 = arith.addi %scan3A_91, %add3A_127 : i32
        %sub3A_129 = arith.constant 2 : i32
        %sub3A_130 = arith.subi %add3A_128, %sub3A_129 : i32
        %add3A_131 = arith.constant 6 : i32
        %add3A_132 = arith.addi %scan3A_91, %add3A_131 : i32
        %sub3A_133 = arith.constant 2 : i32
        %sub3A_134 = arith.subi %add3A_132, %sub3A_133 : i32
        %rem3A_135 = arith.constant 6 : i32
        %rem3A_136 = arith.remsi %sub3A_134, %rem3A_135 : i32
        %dma_start3A_137 = arith.constant 0 : i32
        %dma_start3A_138 = arith.constant 0 : i32
        %dma_start3A_139 = tpu.memref_slice %arg8[%rem3A_136, %dma_start3A_137, %dma_start3A_138] : memref<6x80x64xf32, #tpu.memory_space<vmem>> -> memref<1x80x64xf32, #tpu.memory_space<vmem>>
        %dma_start3A_140 = tpu.memref_squeeze %dma_start3A_139 : memref<1x80x64xf32, #tpu.memory_space<vmem>> -> memref<80x64xf32, #tpu.memory_space<vmem>>
        %dma_start3A_141 = arith.constant 0 : i32
        %dma_start3A_142 = tpu.memref_slice %arg6[%sub3A_130, %dma_start3A_141] : memref<250x80xi32, #tpu.memory_space<vmem>> -> memref<1x80xi32, #tpu.memory_space<vmem>>
        %dma_start3A_143 = tpu.memref_squeeze %dma_start3A_142 : memref<1x80xi32, #tpu.memory_space<vmem>> -> memref<80xi32, #tpu.memory_space<vmem>>
        %dma_start3A_144 = arith.constant 0 : i32
        %dma_start3A_145 = arith.constant 0 : i32
        %dma_start3A_146 = tpu.memref_slice %arg2[%arg0, %dma_start3A_144, %dma_start3A_145] : memref<2x10000x64xf32, #tpu.memory_space<hbm>> -> memref<1x10000x64xf32, #tpu.memory_space<hbm>>
        %dma_start3A_147 = tpu.memref_squeeze %dma_start3A_146 : memref<1x10000x64xf32, #tpu.memory_space<hbm>> -> memref<10000x64xf32, #tpu.memory_space<hbm>>
        %dma_start3A_148 = arith.constant 0 : i32
        %dma_start3A_149 = arith.constant 0 : i32
        %dma_start3A_150 = tpu.memref_slice %dma_start3A_147[%dma_start3A_148, %dma_start3A_149] : memref<10000x64xf32, #tpu.memory_space<hbm>> -> memref<10000x64xf32, #tpu.memory_space<hbm>>
        tpu.enqueue_indirect_dma source(%dma_start3A_150 : memref<10000x64xf32, #tpu.memory_space<hbm>>) target(%dma_start3A_140 : memref<80x64xf32, #tpu.memory_space<vmem>>) offsets(%dma_start3A_143 : memref<80xi32, #tpu.memory_space<vmem>>) semaphore(%arg10 : memref<!tpu.dma_semaphore, #tpu.memory_space<semaphore_mem>>)
      } else {
      }
    }
    %scan3A_73 = arith.constant 250 : i32
    %scan3A_74 = arith.constant 0 : i32
    %scan3A_75 = arith.constant 0 : i32
    %scan3A_76 = arith.constant 2 : i32
    %scan3A_77 = arith.addi %scan3A_75, %scan3A_76 : i32
    %scan3A_78 = arith.constant 1 : i32
    scf.for %scan3A_91 = %scan3A_75 to %scan3A_77 step %scan3A_78  : i32 {
      %dma_wait3A = arith.constant 0 : i32
      %dma_wait3A_92 = arith.constant 0 : i32
      %dma_wait3A_93 = arith.constant 0 : i32
      %dma_wait3A_94 = arith.constant 0 : i32
      %dma_wait3A_95 = tpu.memref_slice %arg8[%dma_wait3A, %dma_wait3A_93, %dma_wait3A_94] : memref<6x80x64xf32, #tpu.memory_space<vmem>> -> memref<1x80x64xf32, #tpu.memory_space<vmem>>
      %dma_wait3A_96 = tpu.memref_squeeze %dma_wait3A_95 : memref<1x80x64xf32, #tpu.memory_space<vmem>> -> memref<80x64xf32, #tpu.memory_space<vmem>>
      %dma_wait3A_97 = arith.constant 0 : i32
      %dma_wait3A_98 = tpu.memref_slice %arg7[%dma_wait3A_92, %dma_wait3A_97] : memref<250x80xi32, #tpu.memory_space<vmem>> -> memref<1x80xi32, #tpu.memory_space<vmem>>
      %dma_wait3A_99 = tpu.memref_squeeze %dma_wait3A_98 : memref<1x80xi32, #tpu.memory_space<vmem>> -> memref<80xi32, #tpu.memory_space<vmem>>
      %dma_wait3A_100 = arith.constant 0 : i32
      %dma_wait3A_101 = arith.constant 0 : i32
      %dma_wait3A_102 = tpu.memref_slice %arg9[%dma_wait3A_100, %dma_wait3A_101] : memref<10000x64xf32, #tpu.memory_space<vmem_shared>> -> memref<10000x64xf32, #tpu.memory_space<vmem_shared>>
      tpu.wait_indirect_dma semaphore(%arg11 : memref<!tpu.dma_semaphore, #tpu.memory_space<semaphore_mem>>) src(%dma_wait3A_96 : memref<80x64xf32, #tpu.memory_space<vmem>>) dst(%dma_wait3A_102 : memref<10000x64xf32, #tpu.memory_space<vmem_shared>>)
    }
    %scan3A_79 = arith.constant 2 : i32
    %barrier3A_80 = arith.constant 0 : index
    tpu.barrier barrier_id(%barrier3A_80)
    %lt3A_81 = arith.constant 15 : i32
    %lt3A_82 = arith.cmpi slt, %arg1, %lt3A_81 : i32
    %convert_element_type3A_83 = arith.extui %lt3A_82 : i1 to i32
    %cond3A_84 = arith.constant 0 : i32
    %cond3A_85 = arith.cmpi ne, %convert_element_type3A_83, %cond3A_84 : i32
    scf.if %cond3A_85 {
      %mul3A = arith.constant 632 : i32
      %mul3A_91 = arith.muli %arg1, %mul3A : i32
      %mul3A_92 = arith.constant 64 : i32
      %mul3A_93 = arith.muli %arg0, %mul3A_92 : i32
      "tpu.region"() ({
        %run_scoped3A = tpu.sem_alloc : memref<!tpu.dma_semaphore, #tpu.memory_space<semaphore_mem>>
        %dma_start3A_94 = tpu.memref_slice %arg5[%mul3A_91, %mul3A_93] : memref<10000x128xf32, #tpu.memory_space<hbm>> -> memref<632x64xf32, #tpu.memory_space<hbm>>
        %dma_start3A_95 = arith.constant 0 : i32
        %dma_start3A_96 = tpu.memref_slice %arg9[%mul3A_91, %dma_start3A_95] : memref<10000x64xf32, #tpu.memory_space<vmem_shared>> -> memref<632x64xf32, #tpu.memory_space<vmem_shared>>
        tpu.enqueue_dma source(%dma_start3A_96 : memref<632x64xf32, #tpu.memory_space<vmem_shared>>) target(%dma_start3A_94 : memref<632x64xf32, #tpu.memory_space<hbm>>) target_semaphore(%run_scoped3A : memref<!tpu.dma_semaphore, #tpu.memory_space<semaphore_mem>>)
        %dma_wait3A = tpu.memref_slice %arg5[%mul3A_91, %mul3A_93] : memref<10000x128xf32, #tpu.memory_space<hbm>> -> memref<632x64xf32, #tpu.memory_space<hbm>>
        %dma_wait3A_97 = arith.constant 0 : i32
        %dma_wait3A_98 = tpu.memref_slice %arg9[%mul3A_91, %dma_wait3A_97] : memref<10000x64xf32, #tpu.memory_space<vmem_shared>> -> memref<632x64xf32, #tpu.memory_space<vmem_shared>>
        tpu.wait_dma2 semaphore(%run_scoped3A : memref<!tpu.dma_semaphore, #tpu.memory_space<semaphore_mem>>) src(%dma_wait3A_98 : memref<632x64xf32, #tpu.memory_space<vmem_shared>>) dst(%dma_wait3A : memref<632x64xf32, #tpu.memory_space<hbm>>)
        tpu.yield
      }) : () -> ()
    } else {
    }
    %eq3A_86 = arith.constant 15 : i32
    %eq3A_87 = arith.cmpi eq, %arg1, %eq3A_86 : i32
    %convert_element_type3A_88 = arith.extui %eq3A_87 : i1 to i32
    %cond3A_89 = arith.constant 0 : i32
    %cond3A_90 = arith.cmpi ne, %convert_element_type3A_88, %cond3A_89 : i32
    scf.if %cond3A_90 {
      %mul3A = arith.constant 64 : i32
      %mul3A_91 = arith.muli %arg0, %mul3A : i32
      "tpu.region"() ({
        %run_scoped3A = tpu.sem_alloc : memref<!tpu.dma_semaphore, #tpu.memory_space<semaphore_mem>>
        %dma_start3A_92 = arith.constant 9480 : i32
        %dma_start3A_93 = tpu.memref_slice %arg5[%dma_start3A_92, %mul3A_91] : memref<10000x128xf32, #tpu.memory_space<hbm>> -> memref<520x64xf32, #tpu.memory_space<hbm>>
        %dma_start3A_94 = arith.constant 9480 : i32
        %dma_start3A_95 = arith.constant 0 : i32
        %dma_start3A_96 = tpu.memref_slice %arg9[%dma_start3A_94, %dma_start3A_95] : memref<10000x64xf32, #tpu.memory_space<vmem_shared>> -> memref<520x64xf32, #tpu.memory_space<vmem_shared>>
        tpu.enqueue_dma source(%dma_start3A_96 : memref<520x64xf32, #tpu.memory_space<vmem_shared>>) target(%dma_start3A_93 : memref<520x64xf32, #tpu.memory_space<hbm>>) target_semaphore(%run_scoped3A : memref<!tpu.dma_semaphore, #tpu.memory_space<semaphore_mem>>)
        %dma_wait3A = arith.constant 9480 : i32
        %dma_wait3A_97 = tpu.memref_slice %arg5[%dma_wait3A, %mul3A_91] : memref<10000x128xf32, #tpu.memory_space<hbm>> -> memref<520x64xf32, #tpu.memory_space<hbm>>
        %dma_wait3A_98 = arith.constant 9480 : i32
        %dma_wait3A_99 = arith.constant 0 : i32
        %dma_wait3A_100 = tpu.memref_slice %arg9[%dma_wait3A_98, %dma_wait3A_99] : memref<10000x64xf32, #tpu.memory_space<vmem_shared>> -> memref<520x64xf32, #tpu.memory_space<vmem_shared>>
        tpu.wait_dma2 semaphore(%run_scoped3A : memref<!tpu.dma_semaphore, #tpu.memory_space<semaphore_mem>>) src(%dma_wait3A_100 : memref<520x64xf32, #tpu.memory_space<vmem_shared>>) dst(%dma_wait3A_97 : memref<520x64xf32, #tpu.memory_space<hbm>>)
        tpu.yield
      }) : () -> ()
    } else {
    }
    return
  }
}

#map = affine_map<(d0, d1) -> (0, 0, 0)>
#map1 = affine_map<(d0, d1) -> (0)>
#map2 = affine_map<(d0, d1) -> (0, 0)>
module attributes {stable_mosaic.version = 14 : i64} {
  func.func @_deg_body(%arg0: i32, %arg1: i32, %arg2: memref<16x250x80xi32, #tpu.memory_space<hbm>>, %arg3: memref<632xf32, #tpu.memory_space<hbm>>, %arg4: memref<632xf32, #tpu.memory_space<hbm>>, %arg5: memref<2x10000xf32, #tpu.memory_space<hbm>>, %arg6: memref<125x80xi32, #tpu.memory_space<vmem>>, %arg7: memref<80xf32, #tpu.memory_space<vmem>>, %arg8: memref<10000xf32, #tpu.memory_space<vmem_shared>>, %arg9: memref<!tpu.dma_semaphore, #tpu.memory_space<semaphore_mem>>) attributes {dimension_semantics = [#tpu.dimension_semantics<core_parallel>, #tpu.dimension_semantics<subcore_parallel>], iteration_bounds = array<i64: 2, 16>, scalar_prefetch = 0 : i64, scratch_operands = 4 : i64, tpu.core_type = #tpu.core_type<sc_vector_subcore>, window_params = [{transform_indices = #map}, {transform_indices = #map1}, {transform_indices = #map1}, {transform_indices = #map2}]} {
    %lt3A = arith.constant 15 : i32
    %lt3A_0 = arith.cmpi slt, %arg1, %lt3A : i32
    %convert_element_type3A = arith.extui %lt3A_0 : i1 to i32
    %cond3A = arith.constant 0 : i32
    %cond3A_1 = arith.cmpi ne, %convert_element_type3A, %cond3A : i32
    scf.if %cond3A_1 {
      %mul3A_29 = arith.constant 632 : i32
      %mul3A_30 = arith.muli %arg1, %mul3A_29 : i32
      %eq3A_31 = arith.constant 0 : i32
      %eq3A_32 = arith.cmpi eq, %arg0, %eq3A_31 : i32
      %convert_element_type3A_33 = arith.extui %eq3A_32 : i1 to i32
      %cond3A_34 = arith.constant 0 : i32
      %cond3A_35 = arith.cmpi ne, %convert_element_type3A_33, %cond3A_34 : i32
      scf.if %cond3A_35 {
        "tpu.region"() ({
          %run_scoped3A = tpu.sem_alloc : memref<!tpu.dma_semaphore, #tpu.memory_space<semaphore_mem>>
          %dma_start3A = tpu.memref_slice %arg8[%mul3A_30] : memref<10000xf32, #tpu.memory_space<vmem_shared>> -> memref<632xf32, #tpu.memory_space<vmem_shared>>
          %dma_start3A_41 = arith.constant 0 : i32
          %dma_start3A_42 = tpu.memref_slice %arg3[%dma_start3A_41] : memref<632xf32, #tpu.memory_space<hbm>> -> memref<632xf32, #tpu.memory_space<hbm>>
          tpu.enqueue_dma source(%dma_start3A_42 : memref<632xf32, #tpu.memory_space<hbm>>) target(%dma_start3A : memref<632xf32, #tpu.memory_space<vmem_shared>>) target_semaphore(%run_scoped3A : memref<!tpu.dma_semaphore, #tpu.memory_space<semaphore_mem>>)
          %dma_wait3A = tpu.memref_slice %arg8[%mul3A_30] : memref<10000xf32, #tpu.memory_space<vmem_shared>> -> memref<632xf32, #tpu.memory_space<vmem_shared>>
          %dma_wait3A_43 = arith.constant 0 : i32
          %dma_wait3A_44 = tpu.memref_slice %arg3[%dma_wait3A_43] : memref<632xf32, #tpu.memory_space<hbm>> -> memref<632xf32, #tpu.memory_space<hbm>>
          tpu.wait_dma2 semaphore(%run_scoped3A : memref<!tpu.dma_semaphore, #tpu.memory_space<semaphore_mem>>) src(%dma_wait3A_44 : memref<632xf32, #tpu.memory_space<hbm>>) dst(%dma_wait3A : memref<632xf32, #tpu.memory_space<vmem_shared>>)
          tpu.yield
        }) : () -> ()
      } else {
      }
      %eq3A_36 = arith.constant 1 : i32
      %eq3A_37 = arith.cmpi eq, %arg0, %eq3A_36 : i32
      %convert_element_type3A_38 = arith.extui %eq3A_37 : i1 to i32
      %cond3A_39 = arith.constant 0 : i32
      %cond3A_40 = arith.cmpi ne, %convert_element_type3A_38, %cond3A_39 : i32
      scf.if %cond3A_40 {
        "tpu.region"() ({
          %run_scoped3A = tpu.sem_alloc : memref<!tpu.dma_semaphore, #tpu.memory_space<semaphore_mem>>
          %dma_start3A = tpu.memref_slice %arg8[%mul3A_30] : memref<10000xf32, #tpu.memory_space<vmem_shared>> -> memref<632xf32, #tpu.memory_space<vmem_shared>>
          %dma_start3A_41 = arith.constant 0 : i32
          %dma_start3A_42 = tpu.memref_slice %arg4[%dma_start3A_41] : memref<632xf32, #tpu.memory_space<hbm>> -> memref<632xf32, #tpu.memory_space<hbm>>
          tpu.enqueue_dma source(%dma_start3A_42 : memref<632xf32, #tpu.memory_space<hbm>>) target(%dma_start3A : memref<632xf32, #tpu.memory_space<vmem_shared>>) target_semaphore(%run_scoped3A : memref<!tpu.dma_semaphore, #tpu.memory_space<semaphore_mem>>)
          %dma_wait3A = tpu.memref_slice %arg8[%mul3A_30] : memref<10000xf32, #tpu.memory_space<vmem_shared>> -> memref<632xf32, #tpu.memory_space<vmem_shared>>
          %dma_wait3A_43 = arith.constant 0 : i32
          %dma_wait3A_44 = tpu.memref_slice %arg4[%dma_wait3A_43] : memref<632xf32, #tpu.memory_space<hbm>> -> memref<632xf32, #tpu.memory_space<hbm>>
          tpu.wait_dma2 semaphore(%run_scoped3A : memref<!tpu.dma_semaphore, #tpu.memory_space<semaphore_mem>>) src(%dma_wait3A_44 : memref<632xf32, #tpu.memory_space<hbm>>) dst(%dma_wait3A : memref<632xf32, #tpu.memory_space<vmem_shared>>)
          tpu.yield
        }) : () -> ()
      } else {
      }
    } else {
    }
    %eq3A = arith.constant 15 : i32
    %eq3A_2 = arith.cmpi eq, %arg1, %eq3A : i32
    %convert_element_type3A_3 = arith.extui %eq3A_2 : i1 to i32
    %cond3A_4 = arith.constant 0 : i32
    %cond3A_5 = arith.cmpi ne, %convert_element_type3A_3, %cond3A_4 : i32
    scf.if %cond3A_5 {
      %eq3A_29 = arith.constant 0 : i32
      %eq3A_30 = arith.cmpi eq, %arg0, %eq3A_29 : i32
      %convert_element_type3A_31 = arith.extui %eq3A_30 : i1 to i32
      %cond3A_32 = arith.constant 0 : i32
      %cond3A_33 = arith.cmpi ne, %convert_element_type3A_31, %cond3A_32 : i32
      scf.if %cond3A_33 {
        "tpu.region"() ({
          %run_scoped3A = tpu.sem_alloc : memref<!tpu.dma_semaphore, #tpu.memory_space<semaphore_mem>>
          %dma_start3A = arith.constant 9480 : i32
          %dma_start3A_39 = tpu.memref_slice %arg8[%dma_start3A] : memref<10000xf32, #tpu.memory_space<vmem_shared>> -> memref<520xf32, #tpu.memory_space<vmem_shared>>
          %dma_start3A_40 = arith.constant 0 : i32
          %dma_start3A_41 = tpu.memref_slice %arg3[%dma_start3A_40] : memref<632xf32, #tpu.memory_space<hbm>> -> memref<520xf32, #tpu.memory_space<hbm>>
          tpu.enqueue_dma source(%dma_start3A_41 : memref<520xf32, #tpu.memory_space<hbm>>) target(%dma_start3A_39 : memref<520xf32, #tpu.memory_space<vmem_shared>>) target_semaphore(%run_scoped3A : memref<!tpu.dma_semaphore, #tpu.memory_space<semaphore_mem>>)
          %dma_wait3A = arith.constant 9480 : i32
          %dma_wait3A_42 = tpu.memref_slice %arg8[%dma_wait3A] : memref<10000xf32, #tpu.memory_space<vmem_shared>> -> memref<520xf32, #tpu.memory_space<vmem_shared>>
          %dma_wait3A_43 = arith.constant 0 : i32
          %dma_wait3A_44 = tpu.memref_slice %arg3[%dma_wait3A_43] : memref<632xf32, #tpu.memory_space<hbm>> -> memref<520xf32, #tpu.memory_space<hbm>>
          tpu.wait_dma2 semaphore(%run_scoped3A : memref<!tpu.dma_semaphore, #tpu.memory_space<semaphore_mem>>) src(%dma_wait3A_44 : memref<520xf32, #tpu.memory_space<hbm>>) dst(%dma_wait3A_42 : memref<520xf32, #tpu.memory_space<vmem_shared>>)
          tpu.yield
        }) : () -> ()
      } else {
      }
      %eq3A_34 = arith.constant 1 : i32
      %eq3A_35 = arith.cmpi eq, %arg0, %eq3A_34 : i32
      %convert_element_type3A_36 = arith.extui %eq3A_35 : i1 to i32
      %cond3A_37 = arith.constant 0 : i32
      %cond3A_38 = arith.cmpi ne, %convert_element_type3A_36, %cond3A_37 : i32
      scf.if %cond3A_38 {
        "tpu.region"() ({
          %run_scoped3A = tpu.sem_alloc : memref<!tpu.dma_semaphore, #tpu.memory_space<semaphore_mem>>
          %dma_start3A = arith.constant 9480 : i32
          %dma_start3A_39 = tpu.memref_slice %arg8[%dma_start3A] : memref<10000xf32, #tpu.memory_space<vmem_shared>> -> memref<520xf32, #tpu.memory_space<vmem_shared>>
          %dma_start3A_40 = arith.constant 0 : i32
          %dma_start3A_41 = tpu.memref_slice %arg4[%dma_start3A_40] : memref<632xf32, #tpu.memory_space<hbm>> -> memref<520xf32, #tpu.memory_space<hbm>>
          tpu.enqueue_dma source(%dma_start3A_41 : memref<520xf32, #tpu.memory_space<hbm>>) target(%dma_start3A_39 : memref<520xf32, #tpu.memory_space<vmem_shared>>) target_semaphore(%run_scoped3A : memref<!tpu.dma_semaphore, #tpu.memory_space<semaphore_mem>>)
          %dma_wait3A = arith.constant 9480 : i32
          %dma_wait3A_42 = tpu.memref_slice %arg8[%dma_wait3A] : memref<10000xf32, #tpu.memory_space<vmem_shared>> -> memref<520xf32, #tpu.memory_space<vmem_shared>>
          %dma_wait3A_43 = arith.constant 0 : i32
          %dma_wait3A_44 = tpu.memref_slice %arg4[%dma_wait3A_43] : memref<632xf32, #tpu.memory_space<hbm>> -> memref<520xf32, #tpu.memory_space<hbm>>
          tpu.wait_dma2 semaphore(%run_scoped3A : memref<!tpu.dma_semaphore, #tpu.memory_space<semaphore_mem>>) src(%dma_wait3A_44 : memref<520xf32, #tpu.memory_space<hbm>>) dst(%dma_wait3A_42 : memref<520xf32, #tpu.memory_space<vmem_shared>>)
          tpu.yield
        }) : () -> ()
      } else {
      }
    } else {
    }
    "tpu.region"() ({
      %run_scoped3A = tpu.sem_alloc : memref<!tpu.dma_semaphore, #tpu.memory_space<semaphore_mem>>
      %dma_start3A = arith.constant 0 : i32
      %dma_start3A_29 = tpu.memref_slice %arg3[%dma_start3A] : memref<632xf32, #tpu.memory_space<hbm>> -> memref<80xf32, #tpu.memory_space<hbm>>
      %dma_start3A_30 = arith.constant 0 : i32
      %dma_start3A_31 = tpu.memref_slice %arg3[%dma_start3A_30] : memref<632xf32, #tpu.memory_space<hbm>> -> memref<80xf32, #tpu.memory_space<hbm>>
      tpu.enqueue_dma source(%dma_start3A_31 : memref<80xf32, #tpu.memory_space<hbm>>) target(%arg7 : memref<80xf32, #tpu.memory_space<vmem>>) target_semaphore(%run_scoped3A : memref<!tpu.dma_semaphore, #tpu.memory_space<semaphore_mem>>)
      %dma_wait3A = arith.constant 0 : i32
      %dma_wait3A_32 = tpu.memref_slice %arg3[%dma_wait3A] : memref<632xf32, #tpu.memory_space<hbm>> -> memref<80xf32, #tpu.memory_space<hbm>>
      %dma_wait3A_33 = arith.constant 0 : i32
      %dma_wait3A_34 = tpu.memref_slice %arg3[%dma_wait3A_33] : memref<632xf32, #tpu.memory_space<hbm>> -> memref<80xf32, #tpu.memory_space<hbm>>
      tpu.wait_dma2 semaphore(%run_scoped3A : memref<!tpu.dma_semaphore, #tpu.memory_space<semaphore_mem>>) src(%dma_wait3A_34 : memref<80xf32, #tpu.memory_space<hbm>>) dst(%arg7 : memref<80xf32, #tpu.memory_space<vmem>>)
      tpu.yield
    }) : () -> ()
    %mul3A = arith.constant 125 : i32
    %mul3A_6 = arith.muli %arg0, %mul3A : i32
    "tpu.region"() ({
      %run_scoped3A = tpu.sem_alloc : memref<!tpu.dma_semaphore, #tpu.memory_space<semaphore_mem>>
      %dma_start3A = arith.constant 0 : i32
      %dma_start3A_29 = tpu.memref_slice %arg2[%arg1, %mul3A_6, %dma_start3A] : memref<16x250x80xi32, #tpu.memory_space<hbm>> -> memref<1x125x80xi32, #tpu.memory_space<hbm>>
      %dma_start3A_30 = tpu.memref_squeeze %dma_start3A_29 : memref<1x125x80xi32, #tpu.memory_space<hbm>> -> memref<125x80xi32, #tpu.memory_space<hbm>>
      %dma_start3A_31 = arith.constant 0 : i32
      %dma_start3A_32 = tpu.memref_slice %arg2[%arg1, %mul3A_6, %dma_start3A_31] : memref<16x250x80xi32, #tpu.memory_space<hbm>> -> memref<1x125x80xi32, #tpu.memory_space<hbm>>
      %dma_start3A_33 = tpu.memref_squeeze %dma_start3A_32 : memref<1x125x80xi32, #tpu.memory_space<hbm>> -> memref<125x80xi32, #tpu.memory_space<hbm>>
      tpu.enqueue_dma source(%dma_start3A_33 : memref<125x80xi32, #tpu.memory_space<hbm>>) target(%arg6 : memref<125x80xi32, #tpu.memory_space<vmem>>) target_semaphore(%run_scoped3A : memref<!tpu.dma_semaphore, #tpu.memory_space<semaphore_mem>>)
      %dma_wait3A = arith.constant 0 : i32
      %dma_wait3A_34 = tpu.memref_slice %arg2[%arg1, %mul3A_6, %dma_wait3A] : memref<16x250x80xi32, #tpu.memory_space<hbm>> -> memref<1x125x80xi32, #tpu.memory_space<hbm>>
      %dma_wait3A_35 = tpu.memref_squeeze %dma_wait3A_34 : memref<1x125x80xi32, #tpu.memory_space<hbm>> -> memref<125x80xi32, #tpu.memory_space<hbm>>
      %dma_wait3A_36 = arith.constant 0 : i32
      %dma_wait3A_37 = tpu.memref_slice %arg2[%arg1, %mul3A_6, %dma_wait3A_36] : memref<16x250x80xi32, #tpu.memory_space<hbm>> -> memref<1x125x80xi32, #tpu.memory_space<hbm>>
      %dma_wait3A_38 = tpu.memref_squeeze %dma_wait3A_37 : memref<1x125x80xi32, #tpu.memory_space<hbm>> -> memref<125x80xi32, #tpu.memory_space<hbm>>
      tpu.wait_dma2 semaphore(%run_scoped3A : memref<!tpu.dma_semaphore, #tpu.memory_space<semaphore_mem>>) src(%dma_wait3A_38 : memref<125x80xi32, #tpu.memory_space<hbm>>) dst(%arg6 : memref<125x80xi32, #tpu.memory_space<vmem>>)
      tpu.yield
    }) : () -> ()
    %barrier3A = arith.constant 0 : index
    tpu.barrier barrier_id(%barrier3A)
    %scan3A = arith.constant 0 : i32
    %scan3A_7 = arith.constant 0 : i32
    %scan3A_8 = arith.constant 125 : i32
    %scan3A_9 = arith.addi %scan3A_7, %scan3A_8 : i32
    %scan3A_10 = arith.constant 1 : i32
    scf.for %scan3A_29 = %scan3A_7 to %scan3A_9 step %scan3A_10  : i32 {
      %dma_start3A = arith.constant 0 : i32
      %dma_start3A_30 = tpu.memref_slice %arg6[%scan3A_29, %dma_start3A] : memref<125x80xi32, #tpu.memory_space<vmem>> -> memref<1x80xi32, #tpu.memory_space<vmem>>
      %dma_start3A_31 = tpu.memref_squeeze %dma_start3A_30 : memref<1x80xi32, #tpu.memory_space<vmem>> -> memref<80xi32, #tpu.memory_space<vmem>>
      %dma_start3A_32 = arith.constant 0 : i32
      %dma_start3A_33 = tpu.memref_slice %arg8[%dma_start3A_32] : memref<10000xf32, #tpu.memory_space<vmem_shared>> -> memref<10000xf32, #tpu.memory_space<vmem_shared>>
      tpu.enqueue_indirect_dma source(%arg7 : memref<80xf32, #tpu.memory_space<vmem>>) target(%dma_start3A_33 : memref<10000xf32, #tpu.memory_space<vmem_shared>>) offsets(%dma_start3A_31 : memref<80xi32, #tpu.memory_space<vmem>>) semaphore(%arg9 : memref<!tpu.dma_semaphore, #tpu.memory_space<semaphore_mem>>) {add = true}
      %ge3A = arith.constant 8 : i32
      %ge3A_34 = arith.cmpi sge, %scan3A_29, %ge3A : i32
      %convert_element_type3A_35 = arith.extui %ge3A_34 : i1 to i32
      %cond3A_36 = arith.constant 0 : i32
      %cond3A_37 = arith.cmpi ne, %convert_element_type3A_35, %cond3A_36 : i32
      scf.if %cond3A_37 {
        %dma_wait3A = arith.constant 0 : i32
        %dma_wait3A_38 = tpu.memref_slice %arg6[%scan3A_29, %dma_wait3A] : memref<125x80xi32, #tpu.memory_space<vmem>> -> memref<1x80xi32, #tpu.memory_space<vmem>>
        %dma_wait3A_39 = tpu.memref_squeeze %dma_wait3A_38 : memref<1x80xi32, #tpu.memory_space<vmem>> -> memref<80xi32, #tpu.memory_space<vmem>>
        %dma_wait3A_40 = arith.constant 0 : i32
        %dma_wait3A_41 = tpu.memref_slice %arg8[%dma_wait3A_40] : memref<10000xf32, #tpu.memory_space<vmem_shared>> -> memref<10000xf32, #tpu.memory_space<vmem_shared>>
        tpu.wait_indirect_dma semaphore(%arg9 : memref<!tpu.dma_semaphore, #tpu.memory_space<semaphore_mem>>) src(%arg7 : memref<80xf32, #tpu.memory_space<vmem>>) dst(%dma_wait3A_41 : memref<10000xf32, #tpu.memory_space<vmem_shared>>)
      } else {
      }
    }
    %scan3A_11 = arith.constant 125 : i32
    %scan3A_12 = arith.constant 0 : i32
    %scan3A_13 = arith.constant 0 : i32
    %scan3A_14 = arith.constant 8 : i32
    %scan3A_15 = arith.addi %scan3A_13, %scan3A_14 : i32
    %scan3A_16 = arith.constant 1 : i32
    scf.for %scan3A_29 = %scan3A_13 to %scan3A_15 step %scan3A_16  : i32 {
      %dma_wait3A = arith.constant 0 : i32
      %dma_wait3A_30 = arith.constant 0 : i32
      %dma_wait3A_31 = tpu.memref_slice %arg6[%dma_wait3A, %dma_wait3A_30] : memref<125x80xi32, #tpu.memory_space<vmem>> -> memref<1x80xi32, #tpu.memory_space<vmem>>
      %dma_wait3A_32 = tpu.memref_squeeze %dma_wait3A_31 : memref<1x80xi32, #tpu.memory_space<vmem>> -> memref<80xi32, #tpu.memory_space<vmem>>
      %dma_wait3A_33 = arith.constant 0 : i32
      %dma_wait3A_34 = tpu.memref_slice %arg8[%dma_wait3A_33] : memref<10000xf32, #tpu.memory_space<vmem_shared>> -> memref<10000xf32, #tpu.memory_space<vmem_shared>>
      tpu.wait_indirect_dma semaphore(%arg9 : memref<!tpu.dma_semaphore, #tpu.memory_space<semaphore_mem>>) src(%arg7 : memref<80xf32, #tpu.memory_space<vmem>>) dst(%dma_wait3A_34 : memref<10000xf32, #tpu.memory_space<vmem_shared>>)
    }
    %scan3A_17 = arith.constant 8 : i32
    %barrier3A_18 = arith.constant 0 : index
    tpu.barrier barrier_id(%barrier3A_18)
    %lt3A_19 = arith.constant 15 : i32
    %lt3A_20 = arith.cmpi slt, %arg1, %lt3A_19 : i32
    %convert_element_type3A_21 = arith.extui %lt3A_20 : i1 to i32
    %cond3A_22 = arith.constant 0 : i32
    %cond3A_23 = arith.cmpi ne, %convert_element_type3A_21, %cond3A_22 : i32
    scf.if %cond3A_23 {
      %mul3A_29 = arith.constant 632 : i32
      %mul3A_30 = arith.muli %arg1, %mul3A_29 : i32
      "tpu.region"() ({
        %run_scoped3A = tpu.sem_alloc : memref<!tpu.dma_semaphore, #tpu.memory_space<semaphore_mem>>
        %dma_start3A = tpu.memref_slice %arg5[%arg0, %mul3A_30] : memref<2x10000xf32, #tpu.memory_space<hbm>> -> memref<1x632xf32, #tpu.memory_space<hbm>>
        %dma_start3A_31 = tpu.memref_squeeze %dma_start3A : memref<1x632xf32, #tpu.memory_space<hbm>> -> memref<632xf32, #tpu.memory_space<hbm>>
        %dma_start3A_32 = tpu.memref_slice %arg8[%mul3A_30] : memref<10000xf32, #tpu.memory_space<vmem_shared>> -> memref<632xf32, #tpu.memory_space<vmem_shared>>
        tpu.enqueue_dma source(%dma_start3A_32 : memref<632xf32, #tpu.memory_space<vmem_shared>>) target(%dma_start3A_31 : memref<632xf32, #tpu.memory_space<hbm>>) target_semaphore(%run_scoped3A : memref<!tpu.dma_semaphore, #tpu.memory_space<semaphore_mem>>)
        %dma_wait3A = tpu.memref_slice %arg5[%arg0, %mul3A_30] : memref<2x10000xf32, #tpu.memory_space<hbm>> -> memref<1x632xf32, #tpu.memory_space<hbm>>
        %dma_wait3A_33 = tpu.memref_squeeze %dma_wait3A : memref<1x632xf32, #tpu.memory_space<hbm>> -> memref<632xf32, #tpu.memory_space<hbm>>
        %dma_wait3A_34 = tpu.memref_slice %arg8[%mul3A_30] : memref<10000xf32, #tpu.memory_space<vmem_shared>> -> memref<632xf32, #tpu.memory_space<vmem_shared>>
        tpu.wait_dma2 semaphore(%run_scoped3A : memref<!tpu.dma_semaphore, #tpu.memory_space<semaphore_mem>>) src(%dma_wait3A_34 : memref<632xf32, #tpu.memory_space<vmem_shared>>) dst(%dma_wait3A_33 : memref<632xf32, #tpu.memory_space<hbm>>)
        tpu.yield
      }) : () -> ()
    } else {
    }
    %eq3A_24 = arith.constant 15 : i32
    %eq3A_25 = arith.cmpi eq, %arg1, %eq3A_24 : i32
    %convert_element_type3A_26 = arith.extui %eq3A_25 : i1 to i32
    %cond3A_27 = arith.constant 0 : i32
    %cond3A_28 = arith.cmpi ne, %convert_element_type3A_26, %cond3A_27 : i32
    scf.if %cond3A_28 {
      "tpu.region"() ({
        %run_scoped3A = tpu.sem_alloc : memref<!tpu.dma_semaphore, #tpu.memory_space<semaphore_mem>>
        %dma_start3A = arith.constant 9480 : i32
        %dma_start3A_29 = tpu.memref_slice %arg5[%arg0, %dma_start3A] : memref<2x10000xf32, #tpu.memory_space<hbm>> -> memref<1x520xf32, #tpu.memory_space<hbm>>
        %dma_start3A_30 = tpu.memref_squeeze %dma_start3A_29 : memref<1x520xf32, #tpu.memory_space<hbm>> -> memref<520xf32, #tpu.memory_space<hbm>>
        %dma_start3A_31 = arith.constant 9480 : i32
        %dma_start3A_32 = tpu.memref_slice %arg8[%dma_start3A_31] : memref<10000xf32, #tpu.memory_space<vmem_shared>> -> memref<520xf32, #tpu.memory_space<vmem_shared>>
        tpu.enqueue_dma source(%dma_start3A_32 : memref<520xf32, #tpu.memory_space<vmem_shared>>) target(%dma_start3A_30 : memref<520xf32, #tpu.memory_space<hbm>>) target_semaphore(%run_scoped3A : memref<!tpu.dma_semaphore, #tpu.memory_space<semaphore_mem>>)
        %dma_wait3A = arith.constant 9480 : i32
        %dma_wait3A_33 = tpu.memref_slice %arg5[%arg0, %dma_wait3A] : memref<2x10000xf32, #tpu.memory_space<hbm>> -> memref<1x520xf32, #tpu.memory_space<hbm>>
        %dma_wait3A_34 = tpu.memref_squeeze %dma_wait3A_33 : memref<1x520xf32, #tpu.memory_space<hbm>> -> memref<520xf32, #tpu.memory_space<hbm>>
        %dma_wait3A_35 = arith.constant 9480 : i32
        %dma_wait3A_36 = tpu.memref_slice %arg8[%dma_wait3A_35] : memref<10000xf32, #tpu.memory_space<vmem_shared>> -> memref<520xf32, #tpu.memory_space<vmem_shared>>
        tpu.wait_dma2 semaphore(%run_scoped3A : memref<!tpu.dma_semaphore, #tpu.memory_space<semaphore_mem>>) src(%dma_wait3A_36 : memref<520xf32, #tpu.memory_space<vmem_shared>>) dst(%dma_wait3A_34 : memref<520xf32, #tpu.memory_space<hbm>>)
        tpu.yield
      }) : () -> ()
    } else {
    }
    return
  }
}

#map = affine_map<(d0, d1) -> (0, 0, 0)>
#map1 = affine_map<(d0, d1) -> (0, 0)>
module attributes {stable_mosaic.version = 14 : i64} {
  func.func @_agg_body(%arg0: i32, %arg1: i32, %arg2: memref<2x10000x64xf32, #tpu.memory_space<hbm>>, %arg3: memref<16x250x80xi32, #tpu.memory_space<hbm>>, %arg4: memref<16x250x80xi32, #tpu.memory_space<hbm>>, %arg5: memref<10000x128xf32, #tpu.memory_space<hbm>>, %arg6: memref<250x80xi32, #tpu.memory_space<vmem>>, %arg7: memref<250x80xi32, #tpu.memory_space<vmem>>, %arg8: memref<6x80x64xf32, #tpu.memory_space<vmem>>, %arg9: memref<10000x64xf32, #tpu.memory_space<vmem_shared>>, %arg10: memref<!tpu.dma_semaphore, #tpu.memory_space<semaphore_mem>>, %arg11: memref<!tpu.dma_semaphore, #tpu.memory_space<semaphore_mem>>) attributes {dimension_semantics = [#tpu.dimension_semantics<core_parallel>, #tpu.dimension_semantics<subcore_parallel>], iteration_bounds = array<i64: 2, 16>, scalar_prefetch = 0 : i64, scratch_operands = 6 : i64, tpu.core_type = #tpu.core_type<sc_vector_subcore>, window_params = [{transform_indices = #map}, {transform_indices = #map}, {transform_indices = #map}, {transform_indices = #map1}]} {
    %lt3A = arith.constant 15 : i32
    %lt3A_0 = arith.cmpi slt, %arg1, %lt3A : i32
    %convert_element_type3A = arith.extui %lt3A_0 : i1 to i32
    %cond3A = arith.constant 0 : i32
    %cond3A_1 = arith.cmpi ne, %convert_element_type3A, %cond3A : i32
    scf.if %cond3A_1 {
      %mul3A = arith.constant 632 : i32
      %mul3A_91 = arith.muli %arg1, %mul3A : i32
      "tpu.region"() ({
        %run_scoped3A = tpu.sem_alloc : memref<!tpu.dma_semaphore, #tpu.memory_space<semaphore_mem>>
        %dma_start3A_92 = arith.constant 0 : i32
        %dma_start3A_93 = tpu.memref_slice %arg9[%mul3A_91, %dma_start3A_92] : memref<10000x64xf32, #tpu.memory_space<vmem_shared>> -> memref<632x64xf32, #tpu.memory_space<vmem_shared>>
        %dma_start3A_94 = arith.constant 0 : i32
        %dma_start3A_95 = arith.constant 0 : i32
        %dma_start3A_96 = tpu.memref_slice %arg2[%arg0, %dma_start3A_94, %dma_start3A_95] : memref<2x10000x64xf32, #tpu.memory_space<hbm>> -> memref<1x10000x64xf32, #tpu.memory_space<hbm>>
        %dma_start3A_97 = tpu.memref_squeeze %dma_start3A_96 : memref<1x10000x64xf32, #tpu.memory_space<hbm>> -> memref<10000x64xf32, #tpu.memory_space<hbm>>
        %dma_start3A_98 = arith.constant 0 : i32
        %dma_start3A_99 = tpu.memref_slice %dma_start3A_97[%mul3A_91, %dma_start3A_98] : memref<10000x64xf32, #tpu.memory_space<hbm>> -> memref<632x64xf32, #tpu.memory_space<hbm>>
        tpu.enqueue_dma source(%dma_start3A_99 : memref<632x64xf32, #tpu.memory_space<hbm>>) target(%dma_start3A_93 : memref<632x64xf32, #tpu.memory_space<vmem_shared>>) target_semaphore(%run_scoped3A : memref<!tpu.dma_semaphore, #tpu.memory_space<semaphore_mem>>)
        %dma_wait3A = arith.constant 0 : i32
        %dma_wait3A_100 = tpu.memref_slice %arg9[%mul3A_91, %dma_wait3A] : memref<10000x64xf32, #tpu.memory_space<vmem_shared>> -> memref<632x64xf32, #tpu.memory_space<vmem_shared>>
        %dma_wait3A_101 = arith.constant 0 : i32
        %dma_wait3A_102 = arith.constant 0 : i32
        %dma_wait3A_103 = tpu.memref_slice %arg2[%arg0, %dma_wait3A_101, %dma_wait3A_102] : memref<2x10000x64xf32, #tpu.memory_space<hbm>> -> memref<1x10000x64xf32, #tpu.memory_space<hbm>>
        %dma_wait3A_104 = tpu.memref_squeeze %dma_wait3A_103 : memref<1x10000x64xf32, #tpu.memory_space<hbm>> -> memref<10000x64xf32, #tpu.memory_space<hbm>>
        %dma_wait3A_105 = arith.constant 0 : i32
        %dma_wait3A_106 = tpu.memref_slice %dma_wait3A_104[%mul3A_91, %dma_wait3A_105] : memref<10000x64xf32, #tpu.memory_space<hbm>> -> memref<632x64xf32, #tpu.memory_space<hbm>>
        tpu.wait_dma2 semaphore(%run_scoped3A : memref<!tpu.dma_semaphore, #tpu.memory_space<semaphore_mem>>) src(%dma_wait3A_106 : memref<632x64xf32, #tpu.memory_space<hbm>>) dst(%dma_wait3A_100 : memref<632x64xf32, #tpu.memory_space<vmem_shared>>)
        tpu.yield
      }) : () -> ()
    } else {
    }
    %eq3A = arith.constant 15 : i32
    %eq3A_2 = arith.cmpi eq, %arg1, %eq3A : i32
    %convert_element_type3A_3 = arith.extui %eq3A_2 : i1 to i32
    %cond3A_4 = arith.constant 0 : i32
    %cond3A_5 = arith.cmpi ne, %convert_element_type3A_3, %cond3A_4 : i32
    scf.if %cond3A_5 {
      "tpu.region"() ({
        %run_scoped3A = tpu.sem_alloc : memref<!tpu.dma_semaphore, #tpu.memory_space<semaphore_mem>>
        %dma_start3A_91 = arith.constant 9480 : i32
        %dma_start3A_92 = arith.constant 0 : i32
        %dma_start3A_93 = tpu.memref_slice %arg9[%dma_start3A_91, %dma_start3A_92] : memref<10000x64xf32, #tpu.memory_space<vmem_shared>> -> memref<520x64xf32, #tpu.memory_space<vmem_shared>>
        %dma_start3A_94 = arith.constant 0 : i32
        %dma_start3A_95 = arith.constant 0 : i32
        %dma_start3A_96 = tpu.memref_slice %arg2[%arg0, %dma_start3A_94, %dma_start3A_95] : memref<2x10000x64xf32, #tpu.memory_space<hbm>> -> memref<1x10000x64xf32, #tpu.memory_space<hbm>>
        %dma_start3A_97 = tpu.memref_squeeze %dma_start3A_96 : memref<1x10000x64xf32, #tpu.memory_space<hbm>> -> memref<10000x64xf32, #tpu.memory_space<hbm>>
        %dma_start3A_98 = arith.constant 9480 : i32
        %dma_start3A_99 = arith.constant 0 : i32
        %dma_start3A_100 = tpu.memref_slice %dma_start3A_97[%dma_start3A_98, %dma_start3A_99] : memref<10000x64xf32, #tpu.memory_space<hbm>> -> memref<520x64xf32, #tpu.memory_space<hbm>>
        tpu.enqueue_dma source(%dma_start3A_100 : memref<520x64xf32, #tpu.memory_space<hbm>>) target(%dma_start3A_93 : memref<520x64xf32, #tpu.memory_space<vmem_shared>>) target_semaphore(%run_scoped3A : memref<!tpu.dma_semaphore, #tpu.memory_space<semaphore_mem>>)
        %dma_wait3A = arith.constant 9480 : i32
        %dma_wait3A_101 = arith.constant 0 : i32
        %dma_wait3A_102 = tpu.memref_slice %arg9[%dma_wait3A, %dma_wait3A_101] : memref<10000x64xf32, #tpu.memory_space<vmem_shared>> -> memref<520x64xf32, #tpu.memory_space<vmem_shared>>
        %dma_wait3A_103 = arith.constant 0 : i32
        %dma_wait3A_104 = arith.constant 0 : i32
        %dma_wait3A_105 = tpu.memref_slice %arg2[%arg0, %dma_wait3A_103, %dma_wait3A_104] : memref<2x10000x64xf32, #tpu.memory_space<hbm>> -> memref<1x10000x64xf32, #tpu.memory_space<hbm>>
        %dma_wait3A_106 = tpu.memref_squeeze %dma_wait3A_105 : memref<1x10000x64xf32, #tpu.memory_space<hbm>> -> memref<10000x64xf32, #tpu.memory_space<hbm>>
        %dma_wait3A_107 = arith.constant 9480 : i32
        %dma_wait3A_108 = arith.constant 0 : i32
        %dma_wait3A_109 = tpu.memref_slice %dma_wait3A_106[%dma_wait3A_107, %dma_wait3A_108] : memref<10000x64xf32, #tpu.memory_space<hbm>> -> memref<520x64xf32, #tpu.memory_space<hbm>>
        tpu.wait_dma2 semaphore(%run_scoped3A : memref<!tpu.dma_semaphore, #tpu.memory_space<semaphore_mem>>) src(%dma_wait3A_109 : memref<520x64xf32, #tpu.memory_space<hbm>>) dst(%dma_wait3A_102 : memref<520x64xf32, #tpu.memory_space<vmem_shared>>)
        tpu.yield
      }) : () -> ()
    } else {
    }
    "tpu.region"() ({
      %run_scoped3A = tpu.sem_alloc : memref<!tpu.dma_semaphore, #tpu.memory_space<semaphore_mem>>
      %dma_start3A_91 = arith.constant 0 : i32
      %dma_start3A_92 = arith.constant 0 : i32
      %dma_start3A_93 = tpu.memref_slice %arg3[%arg1, %dma_start3A_91, %dma_start3A_92] : memref<16x250x80xi32, #tpu.memory_space<hbm>> -> memref<1x250x80xi32, #tpu.memory_space<hbm>>
      %dma_start3A_94 = tpu.memref_squeeze %dma_start3A_93 : memref<1x250x80xi32, #tpu.memory_space<hbm>> -> memref<250x80xi32, #tpu.memory_space<hbm>>
      %dma_start3A_95 = arith.constant 0 : i32
      %dma_start3A_96 = arith.constant 0 : i32
      %dma_start3A_97 = tpu.memref_slice %arg3[%arg1, %dma_start3A_95, %dma_start3A_96] : memref<16x250x80xi32, #tpu.memory_space<hbm>> -> memref<1x250x80xi32, #tpu.memory_space<hbm>>
      %dma_start3A_98 = tpu.memref_squeeze %dma_start3A_97 : memref<1x250x80xi32, #tpu.memory_space<hbm>> -> memref<250x80xi32, #tpu.memory_space<hbm>>
      tpu.enqueue_dma source(%dma_start3A_98 : memref<250x80xi32, #tpu.memory_space<hbm>>) target(%arg6 : memref<250x80xi32, #tpu.memory_space<vmem>>) target_semaphore(%run_scoped3A : memref<!tpu.dma_semaphore, #tpu.memory_space<semaphore_mem>>)
      %dma_wait3A = arith.constant 0 : i32
      %dma_wait3A_99 = arith.constant 0 : i32
      %dma_wait3A_100 = tpu.memref_slice %arg3[%arg1, %dma_wait3A, %dma_wait3A_99] : memref<16x250x80xi32, #tpu.memory_space<hbm>> -> memref<1x250x80xi32, #tpu.memory_space<hbm>>
      %dma_wait3A_101 = tpu.memref_squeeze %dma_wait3A_100 : memref<1x250x80xi32, #tpu.memory_space<hbm>> -> memref<250x80xi32, #tpu.memory_space<hbm>>
      %dma_wait3A_102 = arith.constant 0 : i32
      %dma_wait3A_103 = arith.constant 0 : i32
      %dma_wait3A_104 = tpu.memref_slice %arg3[%arg1, %dma_wait3A_102, %dma_wait3A_103] : memref<16x250x80xi32, #tpu.memory_space<hbm>> -> memref<1x250x80xi32, #tpu.memory_space<hbm>>
      %dma_wait3A_105 = tpu.memref_squeeze %dma_wait3A_104 : memref<1x250x80xi32, #tpu.memory_space<hbm>> -> memref<250x80xi32, #tpu.memory_space<hbm>>
      tpu.wait_dma2 semaphore(%run_scoped3A : memref<!tpu.dma_semaphore, #tpu.memory_space<semaphore_mem>>) src(%dma_wait3A_105 : memref<250x80xi32, #tpu.memory_space<hbm>>) dst(%arg6 : memref<250x80xi32, #tpu.memory_space<vmem>>)
      tpu.yield
    }) : () -> ()
    "tpu.region"() ({
      %run_scoped3A = tpu.sem_alloc : memref<!tpu.dma_semaphore, #tpu.memory_space<semaphore_mem>>
      %dma_start3A_91 = arith.constant 0 : i32
      %dma_start3A_92 = arith.constant 0 : i32
      %dma_start3A_93 = tpu.memref_slice %arg4[%arg1, %dma_start3A_91, %dma_start3A_92] : memref<16x250x80xi32, #tpu.memory_space<hbm>> -> memref<1x250x80xi32, #tpu.memory_space<hbm>>
      %dma_start3A_94 = tpu.memref_squeeze %dma_start3A_93 : memref<1x250x80xi32, #tpu.memory_space<hbm>> -> memref<250x80xi32, #tpu.memory_space<hbm>>
      %dma_start3A_95 = arith.constant 0 : i32
      %dma_start3A_96 = arith.constant 0 : i32
      %dma_start3A_97 = tpu.memref_slice %arg4[%arg1, %dma_start3A_95, %dma_start3A_96] : memref<16x250x80xi32, #tpu.memory_space<hbm>> -> memref<1x250x80xi32, #tpu.memory_space<hbm>>
      %dma_start3A_98 = tpu.memref_squeeze %dma_start3A_97 : memref<1x250x80xi32, #tpu.memory_space<hbm>> -> memref<250x80xi32, #tpu.memory_space<hbm>>
      tpu.enqueue_dma source(%dma_start3A_98 : memref<250x80xi32, #tpu.memory_space<hbm>>) target(%arg7 : memref<250x80xi32, #tpu.memory_space<vmem>>) target_semaphore(%run_scoped3A : memref<!tpu.dma_semaphore, #tpu.memory_space<semaphore_mem>>)
      %dma_wait3A = arith.constant 0 : i32
      %dma_wait3A_99 = arith.constant 0 : i32
      %dma_wait3A_100 = tpu.memref_slice %arg4[%arg1, %dma_wait3A, %dma_wait3A_99] : memref<16x250x80xi32, #tpu.memory_space<hbm>> -> memref<1x250x80xi32, #tpu.memory_space<hbm>>
      %dma_wait3A_101 = tpu.memref_squeeze %dma_wait3A_100 : memref<1x250x80xi32, #tpu.memory_space<hbm>> -> memref<250x80xi32, #tpu.memory_space<hbm>>
      %dma_wait3A_102 = arith.constant 0 : i32
      %dma_wait3A_103 = arith.constant 0 : i32
      %dma_wait3A_104 = tpu.memref_slice %arg4[%arg1, %dma_wait3A_102, %dma_wait3A_103] : memref<16x250x80xi32, #tpu.memory_space<hbm>> -> memref<1x250x80xi32, #tpu.memory_space<hbm>>
      %dma_wait3A_105 = tpu.memref_squeeze %dma_wait3A_104 : memref<1x250x80xi32, #tpu.memory_space<hbm>> -> memref<250x80xi32, #tpu.memory_space<hbm>>
      tpu.wait_dma2 semaphore(%run_scoped3A : memref<!tpu.dma_semaphore, #tpu.memory_space<semaphore_mem>>) src(%dma_wait3A_105 : memref<250x80xi32, #tpu.memory_space<hbm>>) dst(%arg7 : memref<250x80xi32, #tpu.memory_space<vmem>>)
      tpu.yield
    }) : () -> ()
    %barrier3A = arith.constant 0 : index
    tpu.barrier barrier_id(%barrier3A)
    %dma_start3A = arith.constant 0 : i32
    %dma_start3A_6 = arith.constant 0 : i32
    %dma_start3A_7 = arith.constant 0 : i32
    %dma_start3A_8 = arith.constant 0 : i32
    %dma_start3A_9 = tpu.memref_slice %arg8[%dma_start3A_6, %dma_start3A_7, %dma_start3A_8] : memref<6x80x64xf32, #tpu.memory_space<vmem>> -> memref<1x80x64xf32, #tpu.memory_space<vmem>>
    %dma_start3A_10 = tpu.memref_squeeze %dma_start3A_9 : memref<1x80x64xf32, #tpu.memory_space<vmem>> -> memref<80x64xf32, #tpu.memory_space<vmem>>
    %dma_start3A_11 = arith.constant 0 : i32
    %dma_start3A_12 = tpu.memref_slice %arg6[%dma_start3A, %dma_start3A_11] : memref<250x80xi32, #tpu.memory_space<vmem>> -> memref<1x80xi32, #tpu.memory_space<vmem>>
    %dma_start3A_13 = tpu.memref_squeeze %dma_start3A_12 : memref<1x80xi32, #tpu.memory_space<vmem>> -> memref<80xi32, #tpu.memory_space<vmem>>
    %dma_start3A_14 = arith.constant 0 : i32
    %dma_start3A_15 = arith.constant 0 : i32
    %dma_start3A_16 = tpu.memref_slice %arg2[%arg0, %dma_start3A_14, %dma_start3A_15] : memref<2x10000x64xf32, #tpu.memory_space<hbm>> -> memref<1x10000x64xf32, #tpu.memory_space<hbm>>
    %dma_start3A_17 = tpu.memref_squeeze %dma_start3A_16 : memref<1x10000x64xf32, #tpu.memory_space<hbm>> -> memref<10000x64xf32, #tpu.memory_space<hbm>>
    %dma_start3A_18 = arith.constant 0 : i32
    %dma_start3A_19 = arith.constant 0 : i32
    %dma_start3A_20 = tpu.memref_slice %dma_start3A_17[%dma_start3A_18, %dma_start3A_19] : memref<10000x64xf32, #tpu.memory_space<hbm>> -> memref<10000x64xf32, #tpu.memory_space<hbm>>
    tpu.enqueue_indirect_dma source(%dma_start3A_20 : memref<10000x64xf32, #tpu.memory_space<hbm>>) target(%dma_start3A_10 : memref<80x64xf32, #tpu.memory_space<vmem>>) offsets(%dma_start3A_13 : memref<80xi32, #tpu.memory_space<vmem>>) semaphore(%arg10 : memref<!tpu.dma_semaphore, #tpu.memory_space<semaphore_mem>>)
    %dma_start3A_21 = arith.constant 1 : i32
    %dma_start3A_22 = arith.constant 1 : i32
    %dma_start3A_23 = arith.constant 0 : i32
    %dma_start3A_24 = arith.constant 0 : i32
    %dma_start3A_25 = tpu.memref_slice %arg8[%dma_start3A_22, %dma_start3A_23, %dma_start3A_24] : memref<6x80x64xf32, #tpu.memory_space<vmem>> -> memref<1x80x64xf32, #tpu.memory_space<vmem>>
    %dma_start3A_26 = tpu.memref_squeeze %dma_start3A_25 : memref<1x80x64xf32, #tpu.memory_space<vmem>> -> memref<80x64xf32, #tpu.memory_space<vmem>>
    %dma_start3A_27 = arith.constant 0 : i32
    %dma_start3A_28 = tpu.memref_slice %arg6[%dma_start3A_21, %dma_start3A_27] : memref<250x80xi32, #tpu.memory_space<vmem>> -> memref<1x80xi32, #tpu.memory_space<vmem>>
    %dma_start3A_29 = tpu.memref_squeeze %dma_start3A_28 : memref<1x80xi32, #tpu.memory_space<vmem>> -> memref<80xi32, #tpu.memory_space<vmem>>
    %dma_start3A_30 = arith.constant 0 : i32
    %dma_start3A_31 = arith.constant 0 : i32
    %dma_start3A_32 = tpu.memref_slice %arg2[%arg0, %dma_start3A_30, %dma_start3A_31] : memref<2x10000x64xf32, #tpu.memory_space<hbm>> -> memref<1x10000x64xf32, #tpu.memory_space<hbm>>
    %dma_start3A_33 = tpu.memref_squeeze %dma_start3A_32 : memref<1x10000x64xf32, #tpu.memory_space<hbm>> -> memref<10000x64xf32, #tpu.memory_space<hbm>>
    %dma_start3A_34 = arith.constant 0 : i32
    %dma_start3A_35 = arith.constant 0 : i32
    %dma_start3A_36 = tpu.memref_slice %dma_start3A_33[%dma_start3A_34, %dma_start3A_35] : memref<10000x64xf32, #tpu.memory_space<hbm>> -> memref<10000x64xf32, #tpu.memory_space<hbm>>
    tpu.enqueue_indirect_dma source(%dma_start3A_36 : memref<10000x64xf32, #tpu.memory_space<hbm>>) target(%dma_start3A_26 : memref<80x64xf32, #tpu.memory_space<vmem>>) offsets(%dma_start3A_29 : memref<80xi32, #tpu.memory_space<vmem>>) semaphore(%arg10 : memref<!tpu.dma_semaphore, #tpu.memory_space<semaphore_mem>>)
    %dma_start3A_37 = arith.constant 2 : i32
    %dma_start3A_38 = arith.constant 2 : i32
    %dma_start3A_39 = arith.constant 0 : i32
    %dma_start3A_40 = arith.constant 0 : i32
    %dma_start3A_41 = tpu.memref_slice %arg8[%dma_start3A_38, %dma_start3A_39, %dma_start3A_40] : memref<6x80x64xf32, #tpu.memory_space<vmem>> -> memref<1x80x64xf32, #tpu.memory_space<vmem>>
    %dma_start3A_42 = tpu.memref_squeeze %dma_start3A_41 : memref<1x80x64xf32, #tpu.memory_space<vmem>> -> memref<80x64xf32, #tpu.memory_space<vmem>>
    %dma_start3A_43 = arith.constant 0 : i32
    %dma_start3A_44 = tpu.memref_slice %arg6[%dma_start3A_37, %dma_start3A_43] : memref<250x80xi32, #tpu.memory_space<vmem>> -> memref<1x80xi32, #tpu.memory_space<vmem>>
    %dma_start3A_45 = tpu.memref_squeeze %dma_start3A_44 : memref<1x80xi32, #tpu.memory_space<vmem>> -> memref<80xi32, #tpu.memory_space<vmem>>
    %dma_start3A_46 = arith.constant 0 : i32
    %dma_start3A_47 = arith.constant 0 : i32
    %dma_start3A_48 = tpu.memref_slice %arg2[%arg0, %dma_start3A_46, %dma_start3A_47] : memref<2x10000x64xf32, #tpu.memory_space<hbm>> -> memref<1x10000x64xf32, #tpu.memory_space<hbm>>
    %dma_start3A_49 = tpu.memref_squeeze %dma_start3A_48 : memref<1x10000x64xf32, #tpu.memory_space<hbm>> -> memref<10000x64xf32, #tpu.memory_space<hbm>>
    %dma_start3A_50 = arith.constant 0 : i32
    %dma_start3A_51 = arith.constant 0 : i32
    %dma_start3A_52 = tpu.memref_slice %dma_start3A_49[%dma_start3A_50, %dma_start3A_51] : memref<10000x64xf32, #tpu.memory_space<hbm>> -> memref<10000x64xf32, #tpu.memory_space<hbm>>
    tpu.enqueue_indirect_dma source(%dma_start3A_52 : memref<10000x64xf32, #tpu.memory_space<hbm>>) target(%dma_start3A_42 : memref<80x64xf32, #tpu.memory_space<vmem>>) offsets(%dma_start3A_45 : memref<80xi32, #tpu.memory_space<vmem>>) semaphore(%arg10 : memref<!tpu.dma_semaphore, #tpu.memory_space<semaphore_mem>>)
    %dma_start3A_53 = arith.constant 3 : i32
    %dma_start3A_54 = arith.constant 3 : i32
    %dma_start3A_55 = arith.constant 0 : i32
    %dma_start3A_56 = arith.constant 0 : i32
    %dma_start3A_57 = tpu.memref_slice %arg8[%dma_start3A_54, %dma_start3A_55, %dma_start3A_56] : memref<6x80x64xf32, #tpu.memory_space<vmem>> -> memref<1x80x64xf32, #tpu.memory_space<vmem>>
    %dma_start3A_58 = tpu.memref_squeeze %dma_start3A_57 : memref<1x80x64xf32, #tpu.memory_space<vmem>> -> memref<80x64xf32, #tpu.memory_space<vmem>>
    %dma_start3A_59 = arith.constant 0 : i32
    %dma_start3A_60 = tpu.memref_slice %arg6[%dma_start3A_53, %dma_start3A_59] : memref<250x80xi32, #tpu.memory_space<vmem>> -> memref<1x80xi32, #tpu.memory_space<vmem>>
    %dma_start3A_61 = tpu.memref_squeeze %dma_start3A_60 : memref<1x80xi32, #tpu.memory_space<vmem>> -> memref<80xi32, #tpu.memory_space<vmem>>
    %dma_start3A_62 = arith.constant 0 : i32
    %dma_start3A_63 = arith.constant 0 : i32
    %dma_start3A_64 = tpu.memref_slice %arg2[%arg0, %dma_start3A_62, %dma_start3A_63] : memref<2x10000x64xf32, #tpu.memory_space<hbm>> -> memref<1x10000x64xf32, #tpu.memory_space<hbm>>
    %dma_start3A_65 = tpu.memref_squeeze %dma_start3A_64 : memref<1x10000x64xf32, #tpu.memory_space<hbm>> -> memref<10000x64xf32, #tpu.memory_space<hbm>>
    %dma_start3A_66 = arith.constant 0 : i32
    %dma_start3A_67 = arith.constant 0 : i32
    %dma_start3A_68 = tpu.memref_slice %dma_start3A_65[%dma_start3A_66, %dma_start3A_67] : memref<10000x64xf32, #tpu.memory_space<hbm>> -> memref<10000x64xf32, #tpu.memory_space<hbm>>
    tpu.enqueue_indirect_dma source(%dma_start3A_68 : memref<10000x64xf32, #tpu.memory_space<hbm>>) target(%dma_start3A_58 : memref<80x64xf32, #tpu.memory_space<vmem>>) offsets(%dma_start3A_61 : memref<80xi32, #tpu.memory_space<vmem>>) semaphore(%arg10 : memref<!tpu.dma_semaphore, #tpu.memory_space<semaphore_mem>>)
    %scan3A = arith.constant 0 : i32
    %scan3A_69 = arith.constant 0 : i32
    %scan3A_70 = arith.constant 250 : i32
    %scan3A_71 = arith.addi %scan3A_69, %scan3A_70 : i32
    %scan3A_72 = arith.constant 1 : i32
    scf.for %scan3A_91 = %scan3A_69 to %scan3A_71 step %scan3A_72  : i32 {
      %rem3A = arith.constant 6 : i32
      %rem3A_92 = arith.remsi %scan3A_91, %rem3A : i32
      %dma_wait3A = arith.constant 0 : i32
      %dma_wait3A_93 = arith.constant 0 : i32
      %dma_wait3A_94 = tpu.memref_slice %arg8[%rem3A_92, %dma_wait3A, %dma_wait3A_93] : memref<6x80x64xf32, #tpu.memory_space<vmem>> -> memref<1x80x64xf32, #tpu.memory_space<vmem>>
      %dma_wait3A_95 = tpu.memref_squeeze %dma_wait3A_94 : memref<1x80x64xf32, #tpu.memory_space<vmem>> -> memref<80x64xf32, #tpu.memory_space<vmem>>
      %dma_wait3A_96 = arith.constant 0 : i32
      %dma_wait3A_97 = tpu.memref_slice %arg6[%scan3A_91, %dma_wait3A_96] : memref<250x80xi32, #tpu.memory_space<vmem>> -> memref<1x80xi32, #tpu.memory_space<vmem>>
      %dma_wait3A_98 = tpu.memref_squeeze %dma_wait3A_97 : memref<1x80xi32, #tpu.memory_space<vmem>> -> memref<80xi32, #tpu.memory_space<vmem>>
      %dma_wait3A_99 = arith.constant 0 : i32
      %dma_wait3A_100 = arith.constant 0 : i32
      %dma_wait3A_101 = tpu.memref_slice %arg2[%arg0, %dma_wait3A_99, %dma_wait3A_100] : memref<2x10000x64xf32, #tpu.memory_space<hbm>> -> memref<1x10000x64xf32, #tpu.memory_space<hbm>>
      %dma_wait3A_102 = tpu.memref_squeeze %dma_wait3A_101 : memref<1x10000x64xf32, #tpu.memory_space<hbm>> -> memref<10000x64xf32, #tpu.memory_space<hbm>>
      %dma_wait3A_103 = arith.constant 0 : i32
      %dma_wait3A_104 = arith.constant 0 : i32
      %dma_wait3A_105 = tpu.memref_slice %dma_wait3A_102[%dma_wait3A_103, %dma_wait3A_104] : memref<10000x64xf32, #tpu.memory_space<hbm>> -> memref<10000x64xf32, #tpu.memory_space<hbm>>
      tpu.wait_indirect_dma semaphore(%arg10 : memref<!tpu.dma_semaphore, #tpu.memory_space<semaphore_mem>>) src(%dma_wait3A_105 : memref<10000x64xf32, #tpu.memory_space<hbm>>) dst(%dma_wait3A_95 : memref<80x64xf32, #tpu.memory_space<vmem>>)
      %dma_start3A_106 = arith.constant 0 : i32
      %dma_start3A_107 = arith.constant 0 : i32
      %dma_start3A_108 = tpu.memref_slice %arg8[%rem3A_92, %dma_start3A_106, %dma_start3A_107] : memref<6x80x64xf32, #tpu.memory_space<vmem>> -> memref<1x80x64xf32, #tpu.memory_space<vmem>>
      %dma_start3A_109 = tpu.memref_squeeze %dma_start3A_108 : memref<1x80x64xf32, #tpu.memory_space<vmem>> -> memref<80x64xf32, #tpu.memory_space<vmem>>
      %dma_start3A_110 = arith.constant 0 : i32
      %dma_start3A_111 = tpu.memref_slice %arg7[%scan3A_91, %dma_start3A_110] : memref<250x80xi32, #tpu.memory_space<vmem>> -> memref<1x80xi32, #tpu.memory_space<vmem>>
      %dma_start3A_112 = tpu.memref_squeeze %dma_start3A_111 : memref<1x80xi32, #tpu.memory_space<vmem>> -> memref<80xi32, #tpu.memory_space<vmem>>
      %dma_start3A_113 = arith.constant 0 : i32
      %dma_start3A_114 = arith.constant 0 : i32
      %dma_start3A_115 = tpu.memref_slice %arg9[%dma_start3A_113, %dma_start3A_114] : memref<10000x64xf32, #tpu.memory_space<vmem_shared>> -> memref<10000x64xf32, #tpu.memory_space<vmem_shared>>
      tpu.enqueue_indirect_dma source(%dma_start3A_109 : memref<80x64xf32, #tpu.memory_space<vmem>>) target(%dma_start3A_115 : memref<10000x64xf32, #tpu.memory_space<vmem_shared>>) offsets(%dma_start3A_112 : memref<80xi32, #tpu.memory_space<vmem>>) semaphore(%arg11 : memref<!tpu.dma_semaphore, #tpu.memory_space<semaphore_mem>>) {add = true}
      %ge3A = arith.constant 2 : i32
      %ge3A_116 = arith.cmpi sge, %scan3A_91, %ge3A : i32
      %convert_element_type3A_117 = arith.extui %ge3A_116 : i1 to i32
      %cond3A_118 = arith.constant 0 : i32
      %cond3A_119 = arith.cmpi ne, %convert_element_type3A_117, %cond3A_118 : i32
      scf.if %cond3A_119 {
        %dma_wait3A_127 = arith.constant 0 : i32
        %dma_wait3A_128 = arith.constant 0 : i32
        %dma_wait3A_129 = arith.constant 0 : i32
        %dma_wait3A_130 = arith.constant 0 : i32
        %dma_wait3A_131 = tpu.memref_slice %arg8[%dma_wait3A_127, %dma_wait3A_129, %dma_wait3A_130] : memref<6x80x64xf32, #tpu.memory_space<vmem>> -> memref<1x80x64xf32, #tpu.memory_space<vmem>>
        %dma_wait3A_132 = tpu.memref_squeeze %dma_wait3A_131 : memref<1x80x64xf32, #tpu.memory_space<vmem>> -> memref<80x64xf32, #tpu.memory_space<vmem>>
        %dma_wait3A_133 = arith.constant 0 : i32
        %dma_wait3A_134 = tpu.memref_slice %arg7[%dma_wait3A_128, %dma_wait3A_133] : memref<250x80xi32, #tpu.memory_space<vmem>> -> memref<1x80xi32, #tpu.memory_space<vmem>>
        %dma_wait3A_135 = tpu.memref_squeeze %dma_wait3A_134 : memref<1x80xi32, #tpu.memory_space<vmem>> -> memref<80xi32, #tpu.memory_space<vmem>>
        %dma_wait3A_136 = arith.constant 0 : i32
        %dma_wait3A_137 = arith.constant 0 : i32
        %dma_wait3A_138 = tpu.memref_slice %arg9[%dma_wait3A_136, %dma_wait3A_137] : memref<10000x64xf32, #tpu.memory_space<vmem_shared>> -> memref<10000x64xf32, #tpu.memory_space<vmem_shared>>
        tpu.wait_indirect_dma semaphore(%arg11 : memref<!tpu.dma_semaphore, #tpu.memory_space<semaphore_mem>>) src(%dma_wait3A_132 : memref<80x64xf32, #tpu.memory_space<vmem>>) dst(%dma_wait3A_138 : memref<10000x64xf32, #tpu.memory_space<vmem_shared>>)
      } else {
      }
      %add3A = arith.constant 6 : i32
      %add3A_120 = arith.addi %scan3A_91, %add3A : i32
      %sub3A = arith.constant 2 : i32
      %sub3A_121 = arith.subi %add3A_120, %sub3A : i32
      %lt3A_122 = arith.constant 250 : i32
      %lt3A_123 = arith.cmpi slt, %sub3A_121, %lt3A_122 : i32
      %convert_element_type3A_124 = arith.extui %lt3A_123 : i1 to i32
      %cond3A_125 = arith.constant 0 : i32
      %cond3A_126 = arith.cmpi ne, %convert_element_type3A_124, %cond3A_125 : i32
      scf.if %cond3A_126 {
        %add3A_127 = arith.constant 6 : i32
        %add3A_128 = arith.addi %scan3A_91, %add3A_127 : i32
        %sub3A_129 = arith.constant 2 : i32
        %sub3A_130 = arith.subi %add3A_128, %sub3A_129 : i32
        %add3A_131 = arith.constant 6 : i32
        %add3A_132 = arith.addi %scan3A_91, %add3A_131 : i32
        %sub3A_133 = arith.constant 2 : i32
        %sub3A_134 = arith.subi %add3A_132, %sub3A_133 : i32
        %rem3A_135 = arith.constant 6 : i32
        %rem3A_136 = arith.remsi %sub3A_134, %rem3A_135 : i32
        %dma_start3A_137 = arith.constant 0 : i32
        %dma_start3A_138 = arith.constant 0 : i32
        %dma_start3A_139 = tpu.memref_slice %arg8[%rem3A_136, %dma_start3A_137, %dma_start3A_138] : memref<6x80x64xf32, #tpu.memory_space<vmem>> -> memref<1x80x64xf32, #tpu.memory_space<vmem>>
        %dma_start3A_140 = tpu.memref_squeeze %dma_start3A_139 : memref<1x80x64xf32, #tpu.memory_space<vmem>> -> memref<80x64xf32, #tpu.memory_space<vmem>>
        %dma_start3A_141 = arith.constant 0 : i32
        %dma_start3A_142 = tpu.memref_slice %arg6[%sub3A_130, %dma_start3A_141] : memref<250x80xi32, #tpu.memory_space<vmem>> -> memref<1x80xi32, #tpu.memory_space<vmem>>
        %dma_start3A_143 = tpu.memref_squeeze %dma_start3A_142 : memref<1x80xi32, #tpu.memory_space<vmem>> -> memref<80xi32, #tpu.memory_space<vmem>>
        %dma_start3A_144 = arith.constant 0 : i32
        %dma_start3A_145 = arith.constant 0 : i32
        %dma_start3A_146 = tpu.memref_slice %arg2[%arg0, %dma_start3A_144, %dma_start3A_145] : memref<2x10000x64xf32, #tpu.memory_space<hbm>> -> memref<1x10000x64xf32, #tpu.memory_space<hbm>>
        %dma_start3A_147 = tpu.memref_squeeze %dma_start3A_146 : memref<1x10000x64xf32, #tpu.memory_space<hbm>> -> memref<10000x64xf32, #tpu.memory_space<hbm>>
        %dma_start3A_148 = arith.constant 0 : i32
        %dma_start3A_149 = arith.constant 0 : i32
        %dma_start3A_150 = tpu.memref_slice %dma_start3A_147[%dma_start3A_148, %dma_start3A_149] : memref<10000x64xf32, #tpu.memory_space<hbm>> -> memref<10000x64xf32, #tpu.memory_space<hbm>>
        tpu.enqueue_indirect_dma source(%dma_start3A_150 : memref<10000x64xf32, #tpu.memory_space<hbm>>) target(%dma_start3A_140 : memref<80x64xf32, #tpu.memory_space<vmem>>) offsets(%dma_start3A_143 : memref<80xi32, #tpu.memory_space<vmem>>) semaphore(%arg10 : memref<!tpu.dma_semaphore, #tpu.memory_space<semaphore_mem>>)
      } else {
      }
    }
    %scan3A_73 = arith.constant 250 : i32
    %scan3A_74 = arith.constant 0 : i32
    %scan3A_75 = arith.constant 0 : i32
    %scan3A_76 = arith.constant 2 : i32
    %scan3A_77 = arith.addi %scan3A_75, %scan3A_76 : i32
    %scan3A_78 = arith.constant 1 : i32
    scf.for %scan3A_91 = %scan3A_75 to %scan3A_77 step %scan3A_78  : i32 {
      %dma_wait3A = arith.constant 0 : i32
      %dma_wait3A_92 = arith.constant 0 : i32
      %dma_wait3A_93 = arith.constant 0 : i32
      %dma_wait3A_94 = arith.constant 0 : i32
      %dma_wait3A_95 = tpu.memref_slice %arg8[%dma_wait3A, %dma_wait3A_93, %dma_wait3A_94] : memref<6x80x64xf32, #tpu.memory_space<vmem>> -> memref<1x80x64xf32, #tpu.memory_space<vmem>>
      %dma_wait3A_96 = tpu.memref_squeeze %dma_wait3A_95 : memref<1x80x64xf32, #tpu.memory_space<vmem>> -> memref<80x64xf32, #tpu.memory_space<vmem>>
      %dma_wait3A_97 = arith.constant 0 : i32
      %dma_wait3A_98 = tpu.memref_slice %arg7[%dma_wait3A_92, %dma_wait3A_97] : memref<250x80xi32, #tpu.memory_space<vmem>> -> memref<1x80xi32, #tpu.memory_space<vmem>>
      %dma_wait3A_99 = tpu.memref_squeeze %dma_wait3A_98 : memref<1x80xi32, #tpu.memory_space<vmem>> -> memref<80xi32, #tpu.memory_space<vmem>>
      %dma_wait3A_100 = arith.constant 0 : i32
      %dma_wait3A_101 = arith.constant 0 : i32
      %dma_wait3A_102 = tpu.memref_slice %arg9[%dma_wait3A_100, %dma_wait3A_101] : memref<10000x64xf32, #tpu.memory_space<vmem_shared>> -> memref<10000x64xf32, #tpu.memory_space<vmem_shared>>
      tpu.wait_indirect_dma semaphore(%arg11 : memref<!tpu.dma_semaphore, #tpu.memory_space<semaphore_mem>>) src(%dma_wait3A_96 : memref<80x64xf32, #tpu.memory_space<vmem>>) dst(%dma_wait3A_102 : memref<10000x64xf32, #tpu.memory_space<vmem_shared>>)
    }
    %scan3A_79 = arith.constant 2 : i32
    %barrier3A_80 = arith.constant 0 : index
    tpu.barrier barrier_id(%barrier3A_80)
    %lt3A_81 = arith.constant 15 : i32
    %lt3A_82 = arith.cmpi slt, %arg1, %lt3A_81 : i32
    %convert_element_type3A_83 = arith.extui %lt3A_82 : i1 to i32
    %cond3A_84 = arith.constant 0 : i32
    %cond3A_85 = arith.cmpi ne, %convert_element_type3A_83, %cond3A_84 : i32
    scf.if %cond3A_85 {
      %mul3A = arith.constant 632 : i32
      %mul3A_91 = arith.muli %arg1, %mul3A : i32
      %mul3A_92 = arith.constant 64 : i32
      %mul3A_93 = arith.muli %arg0, %mul3A_92 : i32
      "tpu.region"() ({
        %run_scoped3A = tpu.sem_alloc : memref<!tpu.dma_semaphore, #tpu.memory_space<semaphore_mem>>
        %dma_start3A_94 = tpu.memref_slice %arg5[%mul3A_91, %mul3A_93] : memref<10000x128xf32, #tpu.memory_space<hbm>> -> memref<632x64xf32, #tpu.memory_space<hbm>>
        %dma_start3A_95 = arith.constant 0 : i32
        %dma_start3A_96 = tpu.memref_slice %arg9[%mul3A_91, %dma_start3A_95] : memref<10000x64xf32, #tpu.memory_space<vmem_shared>> -> memref<632x64xf32, #tpu.memory_space<vmem_shared>>
        tpu.enqueue_dma source(%dma_start3A_96 : memref<632x64xf32, #tpu.memory_space<vmem_shared>>) target(%dma_start3A_94 : memref<632x64xf32, #tpu.memory_space<hbm>>) target_semaphore(%run_scoped3A : memref<!tpu.dma_semaphore, #tpu.memory_space<semaphore_mem>>)
        %dma_wait3A = tpu.memref_slice %arg5[%mul3A_91, %mul3A_93] : memref<10000x128xf32, #tpu.memory_space<hbm>> -> memref<632x64xf32, #tpu.memory_space<hbm>>
        %dma_wait3A_97 = arith.constant 0 : i32
        %dma_wait3A_98 = tpu.memref_slice %arg9[%mul3A_91, %dma_wait3A_97] : memref<10000x64xf32, #tpu.memory_space<vmem_shared>> -> memref<632x64xf32, #tpu.memory_space<vmem_shared>>
        tpu.wait_dma2 semaphore(%run_scoped3A : memref<!tpu.dma_semaphore, #tpu.memory_space<semaphore_mem>>) src(%dma_wait3A_98 : memref<632x64xf32, #tpu.memory_space<vmem_shared>>) dst(%dma_wait3A : memref<632x64xf32, #tpu.memory_space<hbm>>)
        tpu.yield
      }) : () -> ()
    } else {
    }
    %eq3A_86 = arith.constant 15 : i32
    %eq3A_87 = arith.cmpi eq, %arg1, %eq3A_86 : i32
    %convert_element_type3A_88 = arith.extui %eq3A_87 : i1 to i32
    %cond3A_89 = arith.constant 0 : i32
    %cond3A_90 = arith.cmpi ne, %convert_element_type3A_88, %cond3A_89 : i32
    scf.if %cond3A_90 {
      %mul3A = arith.constant 64 : i32
      %mul3A_91 = arith.muli %arg0, %mul3A : i32
      "tpu.region"() ({
        %run_scoped3A = tpu.sem_alloc : memref<!tpu.dma_semaphore, #tpu.memory_space<semaphore_mem>>
        %dma_start3A_92 = arith.constant 9480 : i32
        %dma_start3A_93 = tpu.memref_slice %arg5[%dma_start3A_92, %mul3A_91] : memref<10000x128xf32, #tpu.memory_space<hbm>> -> memref<520x64xf32, #tpu.memory_space<hbm>>
        %dma_start3A_94 = arith.constant 9480 : i32
        %dma_start3A_95 = arith.constant 0 : i32
        %dma_start3A_96 = tpu.memref_slice %arg9[%dma_start3A_94, %dma_start3A_95] : memref<10000x64xf32, #tpu.memory_space<vmem_shared>> -> memref<520x64xf32, #tpu.memory_space<vmem_shared>>
        tpu.enqueue_dma source(%dma_start3A_96 : memref<520x64xf32, #tpu.memory_space<vmem_shared>>) target(%dma_start3A_93 : memref<520x64xf32, #tpu.memory_space<hbm>>) target_semaphore(%run_scoped3A : memref<!tpu.dma_semaphore, #tpu.memory_space<semaphore_mem>>)
        %dma_wait3A = arith.constant 9480 : i32
        %dma_wait3A_97 = tpu.memref_slice %arg5[%dma_wait3A, %mul3A_91] : memref<10000x128xf32, #tpu.memory_space<hbm>> -> memref<520x64xf32, #tpu.memory_space<hbm>>
        %dma_wait3A_98 = arith.constant 9480 : i32
        %dma_wait3A_99 = arith.constant 0 : i32
        %dma_wait3A_100 = tpu.memref_slice %arg9[%dma_wait3A_98, %dma_wait3A_99] : memref<10000x64xf32, #tpu.memory_space<vmem_shared>> -> memref<520x64xf32, #tpu.memory_space<vmem_shared>>
        tpu.wait_dma2 semaphore(%run_scoped3A : memref<!tpu.dma_semaphore, #tpu.memory_space<semaphore_mem>>) src(%dma_wait3A_100 : memref<520x64xf32, #tpu.memory_space<vmem_shared>>) dst(%dma_wait3A_97 : memref<520x64xf32, #tpu.memory_space<hbm>>)
        tpu.yield
      }) : () -> ()
    } else {
    }
    return
  }
}

module attributes {stable_mosaic.version = 14 : i64} {
  func.func @_tc1_body(%arg0: memref<10000x128xf32, #tpu.memory_space<vmem>>, %arg1: memref<128x128xf32, #tpu.memory_space<vmem>>, %arg2: memref<2x10000xf32, #tpu.memory_space<vmem>>, %arg3: memref<2x10000x64xf32, #tpu.memory_space<vmem>>) attributes {dimension_semantics = [], scalar_prefetch = 0 : i64, scratch_operands = 0 : i64, tpu.core_type = #tpu.core_type<tc>} {
    %get3A = arith.constant 0 : index
    %get3A_0 = arith.constant 0 : index
    %get3A_1 = vector.load %arg0[%get3A, %get3A_0] : memref<10000x128xf32, #tpu.memory_space<vmem>>, vector<10000x128xf32>
    %get3A_2 = arith.constant 0 : index
    %get3A_3 = arith.constant 0 : index
    %get3A_4 = vector.load %arg1[%get3A_2, %get3A_3] : memref<128x128xf32, #tpu.memory_space<vmem>>, vector<128x128xf32>
    %dot_general3A = arith.constant dense<0.000000e+00> : vector<10000x128xf32>
    %dot_general3A_5 = tpu.matmul %get3A_1, %get3A_4, %dot_general3A {dimension_numbers = #tpu.dot_dimension_numbers<[1], [0], [0], [1], [0, 0, 1, 1], [], []>, transpose_lhs_hint = false} : vector<10000x128xf32>, vector<128x128xf32>, vector<10000x128xf32> -> vector<10000x128xf32>
    %get3A_6 = arith.constant 0 : index
    %get3A_7 = arith.constant 0 : index
    %get3A_8 = vector.load %arg2[%get3A_6, %get3A_7] : memref<2x10000xf32, #tpu.memory_space<vmem>>, vector<1x10000xf32>
    %get3A_9 = vector.shape_cast %get3A_8 : vector<1x10000xf32> to vector<10000xf32>
    %get3A_10 = arith.constant 1 : index
    %get3A_11 = arith.constant 0 : index
    %get3A_12 = vector.load %arg2[%get3A_10, %get3A_11] : memref<2x10000xf32, #tpu.memory_space<vmem>>, vector<1x10000xf32>
    %get3A_13 = vector.shape_cast %get3A_12 : vector<1x10000xf32> to vector<10000xf32>
    %add3A = arith.addf %get3A_9, %get3A_13 : vector<10000xf32>
    %rsqrt3A = math.rsqrt %add3A : vector<10000xf32>
    %broadcast_in_dim3A = vector.shape_cast %rsqrt3A : vector<10000xf32> to vector<10000x1xf32>
    %mul3A = vector.broadcast %broadcast_in_dim3A : vector<10000x1xf32> to vector<10000x128xf32>
    %mul3A_14 = arith.mulf %dot_general3A_5, %mul3A : vector<10000x128xf32>
    %slice3A = vector.extract_strided_slice %mul3A_14 {offsets = [0, 0], sizes = [10000, 64], strides = [1, 1]} : vector<10000x128xf32> to vector<10000x64xf32>
    %swap3A = arith.constant 0 : index
    %swap3A_15 = arith.constant 0 : index
    %swap3A_16 = arith.constant 0 : index
    %swap3A_17 = vector.load %arg3[%swap3A, %swap3A_15, %swap3A_16] : memref<2x10000x64xf32, #tpu.memory_space<vmem>>, vector<1x10000x64xf32>
    %swap3A_18 = vector.shape_cast %swap3A_17 : vector<1x10000x64xf32> to vector<10000x64xf32>
    %swap3A_19 = vector.shape_cast %slice3A : vector<10000x64xf32> to vector<1x10000x64xf32>
    tpu.vector_store %arg3[%swap3A, %swap3A_15, %swap3A_16], %swap3A_19 {strides = array<i32>} : memref<2x10000x64xf32, #tpu.memory_space<vmem>>, vector<1x10000x64xf32>,
    %slice3A_20 = vector.extract_strided_slice %mul3A_14 {offsets = [0, 64], sizes = [10000, 64], strides = [1, 1]} : vector<10000x128xf32> to vector<10000x64xf32>
    %swap3A_21 = arith.constant 1 : index
    %swap3A_22 = arith.constant 0 : index
    %swap3A_23 = arith.constant 0 : index
    %swap3A_24 = vector.load %arg3[%swap3A_21, %swap3A_22, %swap3A_23] : memref<2x10000x64xf32, #tpu.memory_space<vmem>>, vector<1x10000x64xf32>
    %swap3A_25 = vector.shape_cast %swap3A_24 : vector<1x10000x64xf32> to vector<10000x64xf32>
    %swap3A_26 = vector.shape_cast %slice3A_20 : vector<10000x64xf32> to vector<1x10000x64xf32>
    tpu.vector_store %arg3[%swap3A_21, %swap3A_22, %swap3A_23], %swap3A_26 {strides = array<i32>} : memref<2x10000x64xf32, #tpu.memory_space<vmem>>, vector<1x10000x64xf32>,
    return
  }
}

module attributes {stable_mosaic.version = 14 : i64} {
  func.func @_tc2_body(%arg0: memref<10000x128xf32, #tpu.memory_space<vmem>>, %arg1: memref<2x10000xf32, #tpu.memory_space<vmem>>, %arg2: memref<1x128xf32, #tpu.memory_space<vmem>>, %arg3: memref<1x128xf32, #tpu.memory_space<vmem>>, %arg4: memref<1x128xf32, #tpu.memory_space<vmem>>, %arg5: memref<128x128xf32, #tpu.memory_space<vmem>>, %arg6: memref<2x10000x64xf32, #tpu.memory_space<vmem>>) attributes {dimension_semantics = [], scalar_prefetch = 0 : i64, scratch_operands = 0 : i64, tpu.core_type = #tpu.core_type<tc>} {
    %get3A = arith.constant 0 : index
    %get3A_0 = arith.constant 0 : index
    %get3A_1 = vector.load %arg1[%get3A, %get3A_0] : memref<2x10000xf32, #tpu.memory_space<vmem>>, vector<1x10000xf32>
    %get3A_2 = vector.shape_cast %get3A_1 : vector<1x10000xf32> to vector<10000xf32>
    %get3A_3 = arith.constant 1 : index
    %get3A_4 = arith.constant 0 : index
    %get3A_5 = vector.load %arg1[%get3A_3, %get3A_4] : memref<2x10000xf32, #tpu.memory_space<vmem>>, vector<1x10000xf32>
    %get3A_6 = vector.shape_cast %get3A_5 : vector<1x10000xf32> to vector<10000xf32>
    %add3A = arith.addf %get3A_2, %get3A_6 : vector<10000xf32>
    %rsqrt3A = math.rsqrt %add3A : vector<10000xf32>
    %broadcast_in_dim3A = vector.shape_cast %rsqrt3A : vector<10000xf32> to vector<10000x1xf32>
    %get3A_7 = arith.constant 0 : index
    %get3A_8 = arith.constant 0 : index
    %get3A_9 = vector.load %arg0[%get3A_7, %get3A_8] : memref<10000x128xf32, #tpu.memory_space<vmem>>, vector<10000x128xf32>
    %mul3A = vector.broadcast %broadcast_in_dim3A : vector<10000x1xf32> to vector<10000x128xf32>
    %mul3A_10 = arith.mulf %get3A_9, %mul3A : vector<10000x128xf32>
    %get3A_11 = arith.constant 0 : index
    %get3A_12 = arith.constant 0 : index
    %get3A_13 = vector.load %arg2[%get3A_11, %get3A_12] : memref<1x128xf32, #tpu.memory_space<vmem>>, vector<1x128xf32>
    %add3A_14 = vector.broadcast %get3A_13 : vector<1x128xf32> to vector<10000x128xf32>
    %add3A_15 = arith.addf %mul3A_10, %add3A_14 : vector<10000x128xf32>
    %get3A_16 = arith.constant 0 : index
    %get3A_17 = arith.constant 0 : index
    %get3A_18 = vector.load %arg3[%get3A_16, %get3A_17] : memref<1x128xf32, #tpu.memory_space<vmem>>, vector<1x128xf32>
    %get3A_19 = arith.constant 0 : index
    %get3A_20 = arith.constant 0 : index
    %get3A_21 = vector.load %arg4[%get3A_19, %get3A_20] : memref<1x128xf32, #tpu.memory_space<vmem>>, vector<1x128xf32>
    %reduce_sum3A = arith.constant dense<0.000000e+00> : vector<128xf32>
    %reduce_sum3A_22 = vector.multi_reduction <add>, %add3A_15, %reduce_sum3A [0] : vector<10000x128xf32> to vector<128xf32>
    %div3A = arith.constant 1.000000e+04 : f32
    %div3A_23 = vector.broadcast %div3A : f32 to vector<128xf32>
    %div3A_24 = arith.divf %reduce_sum3A_22, %div3A_23 : vector<128xf32>
    %jit3A = arith.constant 0 : i32
    %reduce_sum3A_25 = arith.constant dense<0.000000e+00> : vector<128xf32>
    %reduce_sum3A_26 = vector.multi_reduction <add>, %add3A_15, %reduce_sum3A_25 [0] : vector<10000x128xf32> to vector<128xf32>
    %broadcast_in_dim3A_27 = vector.shape_cast %reduce_sum3A_26 : vector<128xf32> to vector<1x128xf32>
    %div3A_28 = arith.constant 1.000000e+04 : f32
    %div3A_29 = vector.broadcast %div3A_28 : f32 to vector<1x128xf32>
    %div3A_30 = arith.divf %broadcast_in_dim3A_27, %div3A_29 : vector<1x128xf32>
    %sub3A = vector.broadcast %div3A_30 : vector<1x128xf32> to vector<10000x128xf32>
    %sub3A_31 = arith.subf %add3A_15, %sub3A : vector<10000x128xf32>
    %square3A = arith.mulf %sub3A_31, %sub3A_31 : vector<10000x128xf32>
    %convert_element_type3A = arith.sitofp %jit3A : i32 to f32
    %sub3A_32 = arith.constant 1.000000e+04 : f32
    %sub3A_33 = arith.subf %sub3A_32, %convert_element_type3A : f32
    %reduce_sum3A_34 = arith.constant dense<0.000000e+00> : vector<128xf32>
    %reduce_sum3A_35 = vector.multi_reduction <add>, %square3A, %reduce_sum3A_34 [0] : vector<10000x128xf32> to vector<128xf32>
    %div3A_36 = vector.broadcast %sub3A_33 : f32 to vector<128xf32>
    %div3A_37 = arith.divf %reduce_sum3A_35, %div3A_36 : vector<128xf32>
    %gt3A = arith.constant 0.000000e+00 : f32
    %gt3A_38 = arith.cmpf ogt, %sub3A_33, %gt3A : f32
    %jit3A_39 = arith.constant 0x7FC00000 : f32
    %broadcast_in_dim3A_40 = vector.broadcast %jit3A_39 : f32 to vector<128xf32>
    %select_n3A = arith.select %gt3A_38, %div3A_37, %broadcast_in_dim3A_40 : vector<128xf32>
    %broadcast_in_dim3A_41 = vector.shape_cast %div3A_24 : vector<128xf32> to vector<1x128xf32>
    %sub3A_42 = vector.broadcast %broadcast_in_dim3A_41 : vector<1x128xf32> to vector<10000x128xf32>
    %sub3A_43 = arith.subf %add3A_15, %sub3A_42 : vector<10000x128xf32>
    %add3A_44 = arith.constant 9.99999974E-6 : f32
    %add3A_45 = vector.broadcast %add3A_44 : f32 to vector<128xf32>
    %add3A_46 = arith.addf %select_n3A, %add3A_45 : vector<128xf32>
    %sqrt3A = math.sqrt %add3A_46 : vector<128xf32>
    %broadcast_in_dim3A_47 = vector.shape_cast %sqrt3A : vector<128xf32> to vector<1x128xf32>
    %div3A_48 = vector.broadcast %broadcast_in_dim3A_47 : vector<1x128xf32> to vector<10000x128xf32>
    %div3A_49 = arith.divf %sub3A_43, %div3A_48 : vector<10000x128xf32>
    %mul3A_50 = vector.broadcast %get3A_18 : vector<1x128xf32> to vector<10000x128xf32>
    %mul3A_51 = arith.mulf %div3A_49, %mul3A_50 : vector<10000x128xf32>
    %add3A_52 = vector.broadcast %get3A_21 : vector<1x128xf32> to vector<10000x128xf32>
    %add3A_53 = arith.addf %mul3A_51, %add3A_52 : vector<10000x128xf32>
    %gt3A_54 = arith.constant 0.000000e+00 : f32
    %gt3A_55 = vector.broadcast %gt3A_54 : f32 to vector<10000x128xf32>
    %gt3A_56 = arith.cmpf ogt, %add3A_53, %gt3A_55 : vector<10000x128xf32>
    %mul3A_57 = arith.constant 0.00999999977 : f32
    %mul3A_58 = vector.broadcast %mul3A_57 : f32 to vector<10000x128xf32>
    %mul3A_59 = arith.mulf %mul3A_58, %add3A_53 : vector<10000x128xf32>
    %select_n3A_60 = arith.select %gt3A_56, %add3A_53, %mul3A_59 : vector<10000x128xi1>, vector<10000x128xf32>
    %get3A_61 = arith.constant 0 : index
    %get3A_62 = arith.constant 0 : index
    %get3A_63 = vector.load %arg5[%get3A_61, %get3A_62] : memref<128x128xf32, #tpu.memory_space<vmem>>, vector<128x128xf32>
    %dot_general3A = arith.constant dense<0.000000e+00> : vector<10000x128xf32>
    %dot_general3A_64 = tpu.matmul %select_n3A_60, %get3A_63, %dot_general3A {dimension_numbers = #tpu.dot_dimension_numbers<[1], [0], [0], [1], [0, 0, 1, 1], [], []>, transpose_lhs_hint = false} : vector<10000x128xf32>, vector<128x128xf32>, vector<10000x128xf32> -> vector<10000x128xf32>
    %mul3A_65 = vector.broadcast %broadcast_in_dim3A : vector<10000x1xf32> to vector<10000x128xf32>
    %mul3A_66 = arith.mulf %dot_general3A_64, %mul3A_65 : vector<10000x128xf32>
    %slice3A = vector.extract_strided_slice %mul3A_66 {offsets = [0, 0], sizes = [10000, 64], strides = [1, 1]} : vector<10000x128xf32> to vector<10000x64xf32>
    %swap3A = arith.constant 0 : index
    %swap3A_67 = arith.constant 0 : index
    %swap3A_68 = arith.constant 0 : index
    %swap3A_69 = vector.load %arg6[%swap3A, %swap3A_67, %swap3A_68] : memref<2x10000x64xf32, #tpu.memory_space<vmem>>, vector<1x10000x64xf32>
    %swap3A_70 = vector.shape_cast %swap3A_69 : vector<1x10000x64xf32> to vector<10000x64xf32>
    %swap3A_71 = vector.shape_cast %slice3A : vector<10000x64xf32> to vector<1x10000x64xf32>
    tpu.vector_store %arg6[%swap3A, %swap3A_67, %swap3A_68], %swap3A_71 {strides = array<i32>} : memref<2x10000x64xf32, #tpu.memory_space<vmem>>, vector<1x10000x64xf32>,
    %slice3A_72 = vector.extract_strided_slice %mul3A_66 {offsets = [0, 64], sizes = [10000, 64], strides = [1, 1]} : vector<10000x128xf32> to vector<10000x64xf32>
    %swap3A_73 = arith.constant 1 : index
    %swap3A_74 = arith.constant 0 : index
    %swap3A_75 = arith.constant 0 : index
    %swap3A_76 = vector.load %arg6[%swap3A_73, %swap3A_74, %swap3A_75] : memref<2x10000x64xf32, #tpu.memory_space<vmem>>, vector<1x10000x64xf32>
    %swap3A_77 = vector.shape_cast %swap3A_76 : vector<1x10000x64xf32> to vector<10000x64xf32>
    %swap3A_78 = vector.shape_cast %slice3A_72 : vector<10000x64xf32> to vector<1x10000x64xf32>
    tpu.vector_store %arg6[%swap3A_73, %swap3A_74, %swap3A_75], %swap3A_78 {strides = array<i32>} : memref<2x10000x64xf32, #tpu.memory_space<vmem>>, vector<1x10000x64xf32>,
    return
  }
}

module attributes {stable_mosaic.version = 14 : i64} {
  func.func @_tc3_body(%arg0: memref<10000x128xf32, #tpu.memory_space<vmem>>, %arg1: memref<2x10000xf32, #tpu.memory_space<vmem>>, %arg2: memref<1x128xf32, #tpu.memory_space<vmem>>, %arg3: memref<1x128xf32, #tpu.memory_space<vmem>>, %arg4: memref<1x128xf32, #tpu.memory_space<vmem>>, %arg5: memref<10000x128xf32, #tpu.memory_space<vmem>>, %arg6: memref<10000x128xf32, #tpu.memory_space<vmem>>) attributes {dimension_semantics = [], scalar_prefetch = 0 : i64, scratch_operands = 0 : i64, tpu.core_type = #tpu.core_type<tc>} {
    %get3A = arith.constant 0 : index
    %get3A_0 = arith.constant 0 : index
    %get3A_1 = vector.load %arg0[%get3A, %get3A_0] : memref<10000x128xf32, #tpu.memory_space<vmem>>, vector<10000x128xf32>
    %get3A_2 = arith.constant 0 : index
    %get3A_3 = arith.constant 0 : index
    %get3A_4 = vector.load %arg1[%get3A_2, %get3A_3] : memref<2x10000xf32, #tpu.memory_space<vmem>>, vector<1x10000xf32>
    %get3A_5 = vector.shape_cast %get3A_4 : vector<1x10000xf32> to vector<10000xf32>
    %get3A_6 = arith.constant 1 : index
    %get3A_7 = arith.constant 0 : index
    %get3A_8 = vector.load %arg1[%get3A_6, %get3A_7] : memref<2x10000xf32, #tpu.memory_space<vmem>>, vector<1x10000xf32>
    %get3A_9 = vector.shape_cast %get3A_8 : vector<1x10000xf32> to vector<10000xf32>
    %add3A = arith.addf %get3A_5, %get3A_9 : vector<10000xf32>
    %rsqrt3A = math.rsqrt %add3A : vector<10000xf32>
    %broadcast_in_dim3A = vector.shape_cast %rsqrt3A : vector<10000xf32> to vector<10000x1xf32>
    %mul3A = vector.broadcast %broadcast_in_dim3A : vector<10000x1xf32> to vector<10000x128xf32>
    %mul3A_10 = arith.mulf %get3A_1, %mul3A : vector<10000x128xf32>
    %get3A_11 = arith.constant 0 : index
    %get3A_12 = arith.constant 0 : index
    %get3A_13 = vector.load %arg2[%get3A_11, %get3A_12] : memref<1x128xf32, #tpu.memory_space<vmem>>, vector<1x128xf32>
    %add3A_14 = vector.broadcast %get3A_13 : vector<1x128xf32> to vector<10000x128xf32>
    %add3A_15 = arith.addf %mul3A_10, %add3A_14 : vector<10000x128xf32>
    %get3A_16 = arith.constant 0 : index
    %get3A_17 = arith.constant 0 : index
    %get3A_18 = vector.load %arg3[%get3A_16, %get3A_17] : memref<1x128xf32, #tpu.memory_space<vmem>>, vector<1x128xf32>
    %get3A_19 = arith.constant 0 : index
    %get3A_20 = arith.constant 0 : index
    %get3A_21 = vector.load %arg4[%get3A_19, %get3A_20] : memref<1x128xf32, #tpu.memory_space<vmem>>, vector<1x128xf32>
    %reduce_sum3A = arith.constant dense<0.000000e+00> : vector<128xf32>
    %reduce_sum3A_22 = vector.multi_reduction <add>, %add3A_15, %reduce_sum3A [0] : vector<10000x128xf32> to vector<128xf32>
    %div3A = arith.constant 1.000000e+04 : f32
    %div3A_23 = vector.broadcast %div3A : f32 to vector<128xf32>
    %div3A_24 = arith.divf %reduce_sum3A_22, %div3A_23 : vector<128xf32>
    %jit3A = arith.constant 0 : i32
    %reduce_sum3A_25 = arith.constant dense<0.000000e+00> : vector<128xf32>
    %reduce_sum3A_26 = vector.multi_reduction <add>, %add3A_15, %reduce_sum3A_25 [0] : vector<10000x128xf32> to vector<128xf32>
    %broadcast_in_dim3A_27 = vector.shape_cast %reduce_sum3A_26 : vector<128xf32> to vector<1x128xf32>
    %div3A_28 = arith.constant 1.000000e+04 : f32
    %div3A_29 = vector.broadcast %div3A_28 : f32 to vector<1x128xf32>
    %div3A_30 = arith.divf %broadcast_in_dim3A_27, %div3A_29 : vector<1x128xf32>
    %sub3A = vector.broadcast %div3A_30 : vector<1x128xf32> to vector<10000x128xf32>
    %sub3A_31 = arith.subf %add3A_15, %sub3A : vector<10000x128xf32>
    %square3A = arith.mulf %sub3A_31, %sub3A_31 : vector<10000x128xf32>
    %convert_element_type3A = arith.sitofp %jit3A : i32 to f32
    %sub3A_32 = arith.constant 1.000000e+04 : f32
    %sub3A_33 = arith.subf %sub3A_32, %convert_element_type3A : f32
    %reduce_sum3A_34 = arith.constant dense<0.000000e+00> : vector<128xf32>
    %reduce_sum3A_35 = vector.multi_reduction <add>, %square3A, %reduce_sum3A_34 [0] : vector<10000x128xf32> to vector<128xf32>
    %div3A_36 = vector.broadcast %sub3A_33 : f32 to vector<128xf32>
    %div3A_37 = arith.divf %reduce_sum3A_35, %div3A_36 : vector<128xf32>
    %gt3A = arith.constant 0.000000e+00 : f32
    %gt3A_38 = arith.cmpf ogt, %sub3A_33, %gt3A : f32
    %jit3A_39 = arith.constant 0x7FC00000 : f32
    %broadcast_in_dim3A_40 = vector.broadcast %jit3A_39 : f32 to vector<128xf32>
    %select_n3A = arith.select %gt3A_38, %div3A_37, %broadcast_in_dim3A_40 : vector<128xf32>
    %broadcast_in_dim3A_41 = vector.shape_cast %div3A_24 : vector<128xf32> to vector<1x128xf32>
    %sub3A_42 = vector.broadcast %broadcast_in_dim3A_41 : vector<1x128xf32> to vector<10000x128xf32>
    %sub3A_43 = arith.subf %add3A_15, %sub3A_42 : vector<10000x128xf32>
    %add3A_44 = arith.constant 9.99999974E-6 : f32
    %add3A_45 = vector.broadcast %add3A_44 : f32 to vector<128xf32>
    %add3A_46 = arith.addf %select_n3A, %add3A_45 : vector<128xf32>
    %sqrt3A = math.sqrt %add3A_46 : vector<128xf32>
    %broadcast_in_dim3A_47 = vector.shape_cast %sqrt3A : vector<128xf32> to vector<1x128xf32>
    %div3A_48 = vector.broadcast %broadcast_in_dim3A_47 : vector<1x128xf32> to vector<10000x128xf32>
    %div3A_49 = arith.divf %sub3A_43, %div3A_48 : vector<10000x128xf32>
    %mul3A_50 = vector.broadcast %get3A_18 : vector<1x128xf32> to vector<10000x128xf32>
    %mul3A_51 = arith.mulf %div3A_49, %mul3A_50 : vector<10000x128xf32>
    %add3A_52 = vector.broadcast %get3A_21 : vector<1x128xf32> to vector<10000x128xf32>
    %add3A_53 = arith.addf %mul3A_51, %add3A_52 : vector<10000x128xf32>
    %get3A_54 = arith.constant 0 : index
    %get3A_55 = arith.constant 0 : index
    %get3A_56 = vector.load %arg5[%get3A_54, %get3A_55] : memref<10000x128xf32, #tpu.memory_space<vmem>>, vector<10000x128xf32>
    %add3A_57 = arith.addf %add3A_53, %get3A_56 : vector<10000x128xf32>
    %gt3A_58 = arith.constant 0.000000e+00 : f32
    %gt3A_59 = vector.broadcast %gt3A_58 : f32 to vector<10000x128xf32>
    %gt3A_60 = arith.cmpf ogt, %add3A_57, %gt3A_59 : vector<10000x128xf32>
    %mul3A_61 = arith.constant 0.00999999977 : f32
    %mul3A_62 = vector.broadcast %mul3A_61 : f32 to vector<10000x128xf32>
    %mul3A_63 = arith.mulf %mul3A_62, %add3A_57 : vector<10000x128xf32>
    %select_n3A_64 = arith.select %gt3A_60, %add3A_57, %mul3A_63 : vector<10000x128xi1>, vector<10000x128xf32>
    %swap3A = arith.constant 0 : index
    %swap3A_65 = arith.constant 0 : index
    %swap3A_66 = vector.load %arg6[%swap3A, %swap3A_65] : memref<10000x128xf32, #tpu.memory_space<vmem>>, vector<10000x128xf32>
    tpu.vector_store %arg6[%swap3A, %swap3A_65], %select_n3A_64 {strides = array<i32>} : memref<10000x128xf32, #tpu.memory_space<vmem>>, vector<10000x128xf32>,
    return
  }
}

</mosaic_0001>

<sc_bundles>
// kernel: kernel.11.cloned.1.call-start
scs
__scs_entry_jumppad:
0x0: {  	(pc) =	sbr.rel $0x88, $3  }
0x1: {  	(tag) =	ssettag $0x0;
	lr =	simm.s32 $0x1  }
0x2: {  	[smem:$0x3F97] =	sst lr;
	_ =	strace $0xD0000000  }
0x3: {  	_ = 	snop  }
0x4: {  	_ = 	snop  }
0x5: {  	_ = 	snop  }
0x6: {  	_ = 	snop  }
0x7: {  	_ = 	snop  }
__scs_overlays_trampoline_lowered:
0x8: {  	[smem:$0x3FA6] =	sst s0  }
0x9: {  	[smem:$0x3FA7] =	sst s1  }
0xa: {  	[smem:$0x3FA8] =	sst s2  }
0xb: {  	[smem:$0x3FA9] =	sst s3  }
0xc: {  	[smem:$0x3FAA] =	sst s4  }
0xd: {  	[smem:$0x3FAB] =	sst s5  }
0xe: {  	[smem:$0x3FAC] =	sst s6  }
0xf: {  	[smem:$0x3FAD] =	sst s7  }
0x10: {  	[smem:$0x3FAE] =	sst s8  }
0x11: {  	[smem:$0x3FAF] =	sst s9;
	s0 =	simm.s32 @!p0 $0x0  }
0x12: {  	s1 =	sld [smem:$0x3F95];
	s0 =	simm.s32 @p0 $0x1  }
0x13: {  	[smem:$0x3FB0] =	sst s0;
	s0 =	simm.s32 @!p1 $0x0  }
0x14: {  	s2 =	sld [smem:$0x3F94];
	s0 =	simm.s32 @p1 $0x1  }
0x15: {  	[smem:$0x3FB1] =	sst s0;
	s0 =	simm.s32 @!p2 $0x0  }
0x16: {  	s3 =	sld [smem:$0x3FDB];
	s0 =	simm.s32 @p2 $0x1  }
0x17: {  	s4 =	simm.s32 $0x1BF5;
	[smem:$0x3FB3] =	sst s0  }
0x18: {  	s0 =	sld [smem:$0x3F96];
	_ =	swait.ge [sflag:s4], $0x0  }
0x19: {  	s7 =	sld [smem:$0x3F97]  }
0x1a: {  	s8 =	sadd.s32 $0xFFFFE003, lr  }
0x1b: {  	s9 =	sadd.s32 $0xFFFFFEF7, lr;
	s5 =	simm.s32 $0xFFFFFFFF;
	p2 =	slt.u32 s8, $0xFFFFF086  }
0x1c: {  	p1 =	slt.u32 s9, $0xF7A;
	s5 =	simm.s32 @!p2 $0x0  }
0x1d: {  	s5 =	simm.s32 @p1 $0x1;
	p0 =	seq.s32 s7, s2  }
0x1e: {  	s7 =	smul.u32 @!p0 $0xF7A, s2;
	p2 =	seq.s32 @!p0 s5, $0x0  }
0x1f: {  	s9 =	smul.u32 $0xF7A, s1;
	s8 =	simm.s32 @!p0 $0x1BF5;
	p2 =	por !p2, p0  }
0x20: {  	[sflag:s8] =	ssyncset.s32 @!p0 $0xFFFFF086;
	s6 =	sadd.s32 @!p0 s3, s7;
	s7 =	simm.s32 @!p0 $0x108  }
0x21: {  	s3 =	sadd.s32 s3, s9;
	s6 =	sadd.s32 @!p0 $0x88, s6;
	s7 =	simm.s32 @p2 $0x1082  }
0x22: {  	[simem:s7], [sflag:s8] =	dma.local @!p0 [hbm:s6], $0xF7A  }
0x23: {  	s9 =	sor.u32 $0xD0000000, s2;
	s6 =	simm.s32 $0x108;
	_ =	swait.ge @!p0 [sflag:s8], $0x0  }
0x24: {  	s3 =	sadd.s32 $0x88, s3;
	s6 =	simm.s32 @!p1 $0x1082;
	[sflag:s4] =	ssyncset.s32 $0xFFFFF086  }
0x25: {  	[simem:s6], [sflag:s4] =	dma.local [hbm:s3], $0xF7A  }
0x26: {  	[smem:$0x3F97] =	sst s1;
	(tag) =	ssettag s2;
	_ =	strace s9  }
0x27: {  	s1 =	sld [smem:$0x3FA7]  }
0x28: {  	s2 =	sld [smem:$0x3FA8]  }
0x29: {  	s4 =	sld [smem:$0x3FAA]  }
0x2a: {  	p0 =	seq.s32 s5, $0x0;
	s5 =	sld [smem:$0x3FAB]  }
0x2b: {  	s6 =	sld [smem:$0x3FAC]  }
0x2c: {  	s7 =	sld [smem:$0x3FAD]  }
0x2d: {  	s3 =	simm.s32 $0x108;
	s8 =	sld [smem:$0x3FAE]  }
0x2e: {  	s3 =	simm.s32 @!p0 $0x1082;
	s9 =	sld [smem:$0x3FAF]  }
0x2f: {  	lr =	sadd.s32 s0, s3;
	s0 =	sld [smem:$0x3FA6]  }
0x30: {  	s3 =	sld [smem:$0x3FA9]  }
0x31: {  	[smem:$0x3FB2] =	sst s10  }
0x32: {  	s10 =	sld [smem:$0x3FB0];
	_ =	sdelay $0x3  }
0x33: {  	p0 =	seq.s32 s10, $0x1;
	s10 =	sld [smem:$0x3FB2];
	_ =	sdelay $0x3  }
0x34: {  	[smem:$0x3FB2] =	sst s10  }
0x35: {  	s10 =	sld [smem:$0x3FB1];
	_ =	sdelay $0x3  }
0x36: {  	p1 =	seq.s32 s10, $0x1;
	s10 =	sld [smem:$0x3FB2];
	_ =	sdelay $0x3  }
0x37: {  	[smem:$0x3FB2] =	sst s10  }
0x38: {  	s10 =	sld [smem:$0x3FB3]  }
0x39: {  	_ = 	snop;
	(pc) =	sbr.ind lr, $3  }
0x3a: {  	_ = 	snop  }
0x3b: {  	_ = 	snop  }
0x3c: {  	p2 =	seq.s32 s10, $0x1;
	s10 =	sld [smem:$0x3FB2]  }
0x3d: {  	_ =	shalt  }
0x3e: {  	_ =	shalt  }
0x3f: {  	_ =	shalt  }
0x40: {  	_ =	shalt  }
0x41: {  	_ =	shalt  }
0x42: {  	_ =	shalt  }
0x43: {  	_ =	shalt  }
0x44: {  	_ =	shalt  }
0x45: {  	_ =	shalt  }
0x46: {  	_ =	shalt  }
0x47: {  	_ =	shalt  }
0x48: {  	_ =	shalt  }
0x49: {  	_ =	shalt  }
0x4a: {  	_ =	shalt  }
0x4b: {  	_ =	shalt  }
0x4c: {  	_ =	shalt  }
0x4d: {  	_ =	shalt  }
0x4e: {  	_ =	shalt  }
0x4f: {  	_ =	shalt  }
0x50: {  	_ =	shalt  }
0x51: {  	_ =	shalt  }
0x52: {  	_ =	shalt  }
0x53: {  	_ =	shalt  }
0x54: {  	_ =	shalt  }
0x55: {  	_ =	shalt  }
0x56: {  	_ =	shalt  }
0x57: {  	_ =	shalt  }
0x58: {  	_ =	shalt  }
0x59: {  	_ =	shalt  }
0x5a: {  	_ =	shalt  }
0x5b: {  	_ =	shalt  }
0x5c: {  	_ =	shalt  }
0x5d: {  	_ =	shalt  }
0x5e: {  	_ =	shalt  }
0x5f: {  	_ =	shalt  }
0x60: {  	_ =	shalt  }
0x61: {  	_ =	shalt  }
0x62: {  	_ =	shalt  }
0x63: {  	_ =	shalt  }
0x64: {  	_ =	shalt  }
0x65: {  	_ =	shalt  }
0x66: {  	_ =	shalt  }
0x67: {  	_ =	shalt  }
0x68: {  	_ =	shalt  }
0x69: {  	_ =	shalt  }
0x6a: {  	_ =	shalt  }
0x6b: {  	_ =	shalt  }
0x6c: {  	_ =	shalt  }
0x6d: {  	_ =	shalt  }
0x6e: {  	_ =	shalt  }
0x6f: {  	_ =	shalt  }
0x70: {  	_ =	shalt  }
0x71: {  	_ =	shalt  }
0x72: {  	_ =	shalt  }
0x73: {  	_ =	shalt  }
0x74: {  	_ =	shalt  }
0x75: {  	_ =	shalt  }
0x76: {  	_ =	shalt  }
0x77: {  	_ =	shalt  }
0x78: {  	_ =	shalt  }
0x79: {  	_ =	shalt  }
0x7a: {  	_ =	shalt  }
0x7b: {  	_ =	shalt  }
0x7c: {  	_ =	shalt  }
0x7d: {  	_ =	shalt  }
0x7e: {  	_ =	shalt  }
0x7f: {  	_ =	shalt  }
0x80: {  	_ =	shalt  }
0x81: {  	_ =	shalt  }
0x82: {  	_ =	shalt  }
0x83: {  	_ =	shalt  }
0x84: {  	_ =	shalt  }
0x85: {  	_ =	shalt  }
0x86: {  	_ =	shalt  }
0x87: {  	_ =	shalt  }
.Lfunc_end0:
.L_simem_size_0:
called_computation.1_lowered:
.L_overlay_start_0:
0x88: {  	s2 =	sld [smem:$0x3FD9]  }
0x89: {  	s3 =	sld [smem:$0x3FFE];
	_ =	sdelay $0x1  }
0x8a: {  	s1 =	srdreg.scid  }
0x8b: {  	s0 =	sand.u32 $0x1, s1  }
0x8c: {  	s17 =	sshll.u32 s0, $0xA;
	s2 =	sadd.s32 s3, s2  }
0x8d: {  	s2 =	sadd.s32 s2, s17  }
0x8e: {  	[smem:$0x3FBE] =	sst s2  }
0x8f: {  	_ = 	snop  }
0x90: {  	s2 =	sld [smem:$0x3FD0];
	(tm) =	ssettm $0x1  }
0x91: {  	s18 =	sld [smem:$0x3FFB];
	_ =	sdelay $0x3  }
0x92: {  	_ =	strace s18  }
0x93: {  	s3 =	sld [smem:$0x3FFC];
	_ =	sdelay $0x3  }
0x94: {  	_ =	strace s3  }
0x95: {  	s3 =	sld [smem:$0x3FFD];
	_ =	sdelay $0x3  }
0x96: {  	_ =	strace s3  }
0x97: {  	_ =	strace $0x8FFFFFFF  }
0x98: {  	s19 =	sld [smem:$0x3FDB];
	_ =	sdelay $0x1  }
0x99: {  	s4 =	simm.s32 $_scs_section_size  }
0x9a: {  	s5 =	simm.s32 $_size__tile_overlayer_lowered;
	s6 =	simm.s32 $_tile_overlayer_lowered  }
0x9b: {  	s22 =	simm.s32 $0x1BFF;
	s21 =	sshll.u32 s6, $0x1;
	s3 =	sadd.s32 s4, s19  }
0x9c: {  	s7 =	simm.s32 $0x0;
	s20 =	sshll.u32 s5, $0x1;
	s5 =	sadd.s32 s21, s3  }
0x9d: {  	[timem:s7], [sflag:s22] =	dma.local [hbm:s5], s20  }
0x9e: {  	_ =	swait.ge [sflag:s22], s20  }
0x9f: {  	s4 =	ssub.s32 $0x0, s20;
	[sflag:s22] =	ssyncset.done $0x0  }
0xa0: {  	[sflag:s22] =	ssyncadd.s32 s4;
	_ =	sdelay $0x1  }
0xa1: {  	s23 =	simm.s32 $0x1B8B  }
0xa2: {  	_ =	swait.ge [sflag:s23], $0x1  }
0xa3: {  	[sflag:s23] =	ssyncset.done $0x0  }
0xa4: {  	s25 =	simm.s32 $0x1B8E;
	s24 =	sld [smem:$0x3FFE];
	[sflag:s23] =	ssyncadd.s32 $0xFFFFFFFF  }
0xa5: {  	s26 =	simm.s32 $execute0_lowered;
	[smem:$0x3FD2] =	sst s25  }
0xa6: {  	s5 =	sshll.u32 s26, $0x1;
	_ =	strace $0x80000049;
	[dreg:$0x1] =	wrdreg $0xFFFFFFFF  }
0xa7: {  	s28 =	simm.s32 $_size_execute0_lowered;
	s3 =	sadd.s32 s3, s5;
	[dreg:$0x0] =	wrdreg $0x0  }
0xa8: {  	s5 =	sshll.u32 s28, $0x1;
	[dreg:$0x2] =	wrdreg s3  }
0xa9: {  	[dreg:$0x3] =	wrdreg s5  }
0xaa: {  	[dreg:$0x4] =	wrdreg $0xC0  }
0xab: {  	_ =	task [dreg:s7], $0x5FFFF  }
0xac: {  	[dreg:$0x1] =	wrdreg $0xFFFFFFFF  }
0xad: {  	[dreg:$0x0] =	wrdreg $0x60  }
0xae: {  	[dreg:$0x2] =	wrdreg s2  }
0xaf: {  	[dreg:$0x3] =	wrdreg s24  }
0xb0: {  	[dreg:$0x4] =	wrdreg $0x114400  }
0xb1: {  	[dreg:$0x5] =	wrdreg $0x9  }
0xb2: {  	_ =	task.clear_ibuf [dreg:s7], $0x6FFFF;
	_ =	strace $0x90000049  }
0xb3: {  	s29 =	simm.s32 $0x9;
	_ =	strace $0x8000004B  }
0xb4: {  	_ =	swait.ge [sflag:s29], $0x1  }
0xb5: {  	[sflag:s29] =	ssyncadd.s32 $0xFFFFFFFF  }
0xb6: {  	_ =	strace $0x9000004B  }
0xb7: {  	_ =	sfence  }
0xb8: {  	s30 =	sld [smem:$0x0];
	_ =	sdelay $0x2  }
0xb9: {  	s31 =	sshll.u32 s1, $0xD;
	s1 =	sshrl.u32 s1, $0x2  }
0xba: {  	s3 =	sand.u32 $0x4000, s31;
	s1 =	sadd.s32 s1, s30  }
0xbb: {  	s0 =	sor.u32 s3, s0;
	s1 =	sshll.u32 s1, $0x11  }
0xbc: {  	s0 =	sor.u32 s1, s0  }
0xbd: {  	s0 =	sadd.s32 $0x8F2B, s0  }
0xbe: {  	[sflag:s0] =	ssyncadd.remote.s32 $0x1  }
0xbf: {  	_ =	sfence.sel $0xFFFF  }
0xc0: {  	[dreg:$0x0] =	wrdreg $0xFFFFFFFF;
	(pc) =	sbr.abs _section_cstart, $3  }
0xc1: {  	[dreg:$0x1] =	wrdreg $0xFFFFFFFF  }
0xc2: {  	_ =	task.clear_ibuf [dreg:s7], $0x2FFFF;
	_ =	strace $0x9FFFFFFF  }
0xc3: {  	(tm) =	ssettm $0x7FFFFFFF  }
tec
execute0_lowered:
.L_overlay_start_1:
0x0: {  	(tag) =	ssettag $0x1  }
0x1: {  	s4 =	rddreg [dreg:$0x0]  }
0x2: {  	s5 =	rddreg [dreg:$0x1]  }
0x3: {  	s2 =	rddreg [dreg:$0x2]  }
0x4: {  	s3 =	simm.s32 $0x0;
	s1 =	stileid.u32;
	s6 =	srdreg.scid  }
0x5: {  	s17 =	simm.s32 $0x9C40;
	s18 =	simm.s32 $0xB040;
	s19 =	simm.s32 $0xA0  }
0x6: {  	s20 =	simm.s32 $0xC440;
	s21 =	simm.s32 $0xF0;
	s22 =	simm.s32 $0xD840  }
0x7: {  	s23 =	simm.s32 $0x1;
	s24 =	simm.s32 $0x2;
	s7 =	smul.u32 $0x9C4, s1  }
0x8: {  	s26 =	simm.s32 $0x0;
	[smem:$0x7FF] =	sst s3;
	s9 =	smul.u32 $0x9E00, s1  }
0x9: {  	s8 =	sand.u32 $0x1, s6;
	s12 =	sadd.s32 $0x15C00, s5;
	s29 =	smul.u32 $0x13C00, s1  }
0xa: {  	s13 =	sadd.s32 $0x94200, s2;
	s16 =	smul.u32 $0x27800, s1;
	p0 =	seq.s32 s1, $0xF  }
0xb: {  	_ =	strace $0x8000004A;
	s6 =	ssub.s32 $0x2, s8;
	s11 =	smul.u32 $0x13880, s8  }
0xc: {  	s15 =	sshll.u32 s8, $0x6;
	s8 =	sshll.u32 s8, $0x3;
	s7 =	sadd.s32 s7, s5  }
0xd: {  	s10 =	sshrl.u32 s6, $0x1;
	s14 =	sadd.s32 s9, s2;
	s28 =	sshrl.u32 s9, $0x3  }
0xe: {  	s30 =	sor.u32 s15, s29;
	s31 =	sshrl.u32 s16, $0x2;
	s8 =	sadd.s32 s8, s12  }
0xf: {  	s15 =	sshll.u32 @!p0 s1, $0x6;
	s16 =	simm.s32 $0x50;
	s10 =	ssub.s32 s6, s10  }
0x10: {  	s4 =	sadd.s32 s4, s11;
	s5 =	sadd.s32 $0x2000, s7;
	s6 =	sadd.s32 $0xBE00, s7  }
0x11: {  	s7 =	sshrl.u32 s30, $0x3;
	s25 =	sadd.s32 s31, s2;
	s8 =	sadd.s32 $0x25080, s8  }
0x12: {  	s14 =	sshrl.u32 @!p0 s14, $0x3;
	s7 =	sadd.s32 s12, s7;
	s9 =	smax.u32 s10, $0x1  }
0x13: {  	s10 =	sadd.s32 s28, s4;
	s11 =	sadd.s32 $0x12840, s4;
	s12 =	sshrl.u32 @p0 s13, $0x3  }
0x14: {  	s13 =	sor.u32 @!p0 $0x1C03, s15;
	s15 =	simm.s32 $0x3;
	s25 =	sshrl.u32 @!p0 s25, $0x3  }
.LBB2_1:
0x15: {  	s28 =	simm.s32 @p0 $0x1FC3  }
0x16: {  	[spmem:s12], [sflag:s28] =	dma.local @p0 [hbm:s11], $0x1040  }
0x17: {  	s28 =	simm.s32 @p0 $0x3  }
0x18: {  	_ =	swait.ge @p0 [sflag:s28], $0x1040  }
0x19: {  	[sflag:s28] =	ssyncset.done @p0 $0x0  }
0x1a: {  	[sflag:s28] =	ssyncadd.s32 @p0 $0xFFFFEFC0;
	s28 =	simm.s32 @!p0 $0x3  }
0x1b: {  	[spmem:s14], [sflag:s13] =	dma.local @!p0 [hbm:s10], $0x13C0  }
0x1c: {  	_ =	swait.ge @!p0 [sflag:s28], $0x13C0  }
0x1d: {  	[sflag:s28] =	ssyncset.done @!p0 $0x0  }
0x1e: {  	[sflag:s28] =	ssyncadd.s32 @!p0 $0xFFFFEC40  }
0x1f: {  	[tilespmem:s3], [sflag:$0x3] =	stream.linear.gather [hbm4b:s5+s3], $0x4E20, $0x38;
	[tilespmem:$0x1B080] =	vst v63  }
0x20: {  	_ =	swait.ge [sflag:s15], $0x4E20  }
0x21: {  	[sflag:s15] =	ssyncset.done $0x0  }
0x22: {  	s28 =	simm.s32 $0x4E20;
	[sflag:s15] =	ssyncadd.s32 $0xFFFFB1E0  }
0x23: {  	[tilespmem:s28], [sflag:$0x3] =	stream.linear.gather [hbm4b:s6+s3], $0x4E20, $0x38;
	[tilespmem:$0x1B080] =	vst v63  }
0x24: {  	_ =	swait.ge [sflag:s15], $0x4E20  }
0x25: {  	[sflag:s15] =	ssyncset.done $0x0  }
0x26: {  	[sflag:s15] =	ssyncadd.s32 $0xFFFFB1E0  }
0x27: {  	[bflag:$0x0] =	sbarrier.arrive $0xFFFF  }
0x28: {  	[tilespmem:s17], [sflag:$0x1] =	stream.indirect.gather [hbm4b:s4+s16], $0x40, s3, s16, $0xb8;
	[tilespmem:$0x1B080] =	vst v63  }
0x29: {  	_ = 	snop  }
0x2a: {  	[tilespmem:s18], [sflag:$0x1] =	stream.indirect.gather [hbm4b:s4+s16], $0x40, s16, s16, $0xb8;
	[tilespmem:$0x1B080] =	vst v63  }
0x2b: {  	_ = 	snop  }
0x2c: {  	[tilespmem:s20], [sflag:$0x1] =	stream.indirect.gather [hbm4b:s4+s16], $0x40, s19, s16, $0xb8;
	[tilespmem:$0x1B080] =	vst v63  }
0x2d: {  	s29 =	simm.s32 $0x140;
	s30 =	simm.s32 $0x0  }
0x2e: {  	[tilespmem:s22], [sflag:$0x1] =	stream.indirect.gather [hbm4b:s4+s16], $0x40, s21, s16, $0xb8;
	[tilespmem:$0x1B080] =	vst v63  }
.LBB2_2:
0x2f: {  	s31 =	smul.u32 $0xAB, s30;
	_ =	sdelay $0x1  }
0x30: {  	s31 =	sshrl.u32 s31, $0xA  }
0x31: {  	s31 =	sand.u32 $0x3F, s31  }
0x32: {  	s31 =	smul.u32 $0x6, s31;
	_ =	sdelay $0x1  }
0x33: {  	s31 =	ssub.s32 s30, s31  }
0x34: {  	s31 =	sand.u32 $0xFF, s31  }
0x35: {  	s31 =	smul.u32 $0x5000, s31  }
0x36: {  	_ =	swait.ge [sflag:s23], $0x1400  }
0x37: {  	[sflag:s23] =	ssyncset.done $0x0;
	s31 =	sshrl.u32 s31, $0x2  }
0x38: {  	p1 =	slt.u32 s30, $0x2;
	[sflag:s23] =	ssyncadd.s32 $0xFFFFEC00;
	s31 =	sadd.s32 $0x9C40, s31  }
0x39: {  	[spmem:s2] =	stream.indirect.scatter.add.f32 [tilespmem:s31], [sflag:$0x2], $0x40, s28, s16, $0xb8;
	[tilespmem:$0x1B080] =	vst v63  }
0x3a: {  	s31 =	simm.s32 @!p1 $0x2  }
0x3b: {  	p2 =	sgt.u32 @!p1 s30, $0xF5;
	_ =	swait.ge @!p1 [sflag:s31], $0x1400  }
0x3c: {  	p2 =	por p1, !p2;
	[sflag:s31] =	ssyncset.done @!p1 $0x0  }
0x3d: {  	[sflag:s31] =	ssyncadd.s32 @!p1 $0xFFFFEC00;
	s31 =	sadd.s32 @p2 $0x4, s30  }
0x3e: {  	s0 =	smul.u32 @p2 $0xAB, s31;
	_ =	sdelay $0x1  }
0x3f: {  	s0 =	sshrl.u32 @p2 s0, $0xA  }
0x40: {  	s0 =	sand.u32 @p2 $0x3F, s0  }
0x41: {  	s0 =	smul.u32 @p2 $0x6, s0;
	_ =	sdelay $0x1  }
0x42: {  	s0 =	ssub.s32 @p2 s31, s0  }
0x43: {  	s30 =	sadd.s32 $0x1, s30;
	s0 =	sand.u32 @p2 $0xFF, s0  }
0x44: {  	p1 =	sne.s32 s30, $0xFA;
	s0 =	smul.u32 @p2 $0x5000, s0  }
.Ltmp0:
0x45: {  	_ = 	snop;
	(pc) =	sbr.rel @p1 .LBB2_2-.Ltmp0, $4  }
0x46: {  	s0 =	sshrl.u32 @p2 s0, $0x2  }
0x47: {  	s0 =	sadd.s32 @p2 $0x9C40, s0  }
0x48: {  	[tilespmem:s0], [sflag:$0x1] =	stream.indirect.gather @p2 [hbm4b:s4+s16], $0x40, s29, s16, $0xb8;
	[tilespmem:$0x1B080] =	vst v63  }
0x49: {  	s28 =	sadd.s32 $0x50, s28;
	s29 =	sadd.s32 $0x50, s29  }
0x4a: {  	_ =	swait.ge [sflag:s24], $0x1400  }
0x4b: {  	[sflag:s24] =	ssyncset.done $0x0  }
0x4c: {  	[sflag:s24] =	ssyncadd.s32 $0xFFFFEC00  }
0x4d: {  	_ =	swait.ge [sflag:s24], $0x1400  }
0x4e: {  	[sflag:s24] =	ssyncset.done $0x0  }
0x4f: {  	s0 =	simm.s32 @p0 $0x1;
	s28 =	simm.s32 @p0 $0x10;
	[sflag:s24] =	ssyncadd.s32 $0xFFFFEC00  }
0x50: {  	s29 =	simm.s32 @p0 $0x8;
	s30 =	simm.s32 @p0 $0x1FC3;
	[bflag:$0x0] =	sbarrier.arrive $0xFFFF  }
0x51: {  	[hbm:s8@s28], [sflag:s30] =	dma.strided @p0 [spmem:s12@s29], $0x1040, s0, $0x8   }
0x52: {  	s0 =	simm.s32 @p0 $0x3  }
0x53: {  	s26 =	sadd.s32 $0x1, s26;
	_ =	swait.ge @p0 [sflag:s0], $0x1040  }
0x54: {  	p1 =	sne.s32 s26, s9;
	s28 =	simm.s32 @!p0 $0x10;
	[sflag:s0] =	ssyncset.done @p0 $0x0  }
0x55: {  	s29 =	simm.s32 @!p0 $0x8;
	[sflag:s0] =	ssyncadd.s32 @p0 $0xFFFFEFC0;
	s0 =	simm.s32 @!p0 $0x1  }
0x56: {  	[hbm:s7@s28], [sflag:s13] =	dma.strided @!p0 [spmem:s25@s29], $0x13C0, s0, $0x8   }
.Ltmp1:
0x57: {  	_ = 	snop;
	(pc) =	sbr.rel @p1 .LBB2_1-.Ltmp1, $4  }
0x58: {  	s0 =	simm.s32 @!p0 $0x3  }
0x59: {  	_ =	swait.ge @!p0 [sflag:s0], $0x13C0  }
0x5a: {  	[sflag:s0] =	ssyncset.done @!p0 $0x0  }
0x5b: {  	[sflag:s0] =	ssyncadd.s32 @!p0 $0xFFFFEC40  }
0x5c: {  	_ =	sfence.sel $0x180000  }
0x5d: {  	[bflag:$0x0] =	sbarrier.arrive $0xFFFF  }
0x5e: {  	_ =	strace $0x9000004A  }
0x5f: {  	[bflag:$0x2] =	sbarrier.arrive $0xFFFF  }
0x60: {  	p0 =	sne.s32 s1, $0x0;
	s0 =	rddreg [dreg:$0x3]  }
0x61: {  	s0 =	sadd.s32 @!p0 $0x100000, s0  }
0x62: {  	[sflag:s0] =	ssyncadd.tile.s32 @!p0 $0x1;
	_ =	shalt  }
.Lfunc_end2:
_tile_overlayer_lowered:
.L_overlay_start_2:
0x63: {  	(tag) =	ssettag $0x2  }
0x64: {  	s0 =	rddreg [dreg:$0x0];
	s2 =	stileid.u32  }
0x65: {  	s1 =	rddreg [dreg:$0x1];
	p0 =	sne.s32 s2, $0x0  }
0x66: {  	s3 =	rddreg [dreg:$0x2];
	[bflag:$0x3] =	sbarrier.arrive $0xFFFF;
	s2 =	simm.s32 @!p0 $0x1C03  }
0x67: {  	[timem:s3], [sflag:s2] =	dma.local @!p0 [hbm:s0], s1  }
0x68: {  	s0 =	simm.s32 @!p0 $0x3  }
0x69: {  	_ =	swait.ge @!p0 [sflag:s0], s1  }
0x6a: {  	s1 =	ssub.s32 @!p0 $0x0, s1;
	[sflag:s0] =	ssyncset.done @!p0 $0x0  }
0x6b: {  	[sflag:s0] =	ssyncadd.s32 @!p0 s1  }
0x6c: {  	[bflag:$0x3] =	sbarrier.arrive $0xFFFF  }
0x6d: {  	_ =	shalt  }

// kernel: kernel.14.cloned.1.call-start
scs
__scs_entry_jumppad:
0x0: {  	(pc) =	sbr.rel $0x88, $3  }
0x1: {  	(tag) =	ssettag $0x0;
	lr =	simm.s32 $0x1  }
0x2: {  	[smem:$0x3F97] =	sst lr;
	_ =	strace $0xD0000000  }
0x3: {  	_ = 	snop  }
0x4: {  	_ = 	snop  }
0x5: {  	_ = 	snop  }
0x6: {  	_ = 	snop  }
0x7: {  	_ = 	snop  }
__scs_overlays_trampoline_lowered:
0x8: {  	[smem:$0x3FA6] =	sst s0  }
0x9: {  	[smem:$0x3FA7] =	sst s1  }
0xa: {  	[smem:$0x3FA8] =	sst s2  }
0xb: {  	[smem:$0x3FA9] =	sst s3  }
0xc: {  	[smem:$0x3FAA] =	sst s4  }
0xd: {  	[smem:$0x3FAB] =	sst s5  }
0xe: {  	[smem:$0x3FAC] =	sst s6  }
0xf: {  	[smem:$0x3FAD] =	sst s7  }
0x10: {  	[smem:$0x3FAE] =	sst s8  }
0x11: {  	[smem:$0x3FAF] =	sst s9;
	s0 =	simm.s32 @!p0 $0x0  }
0x12: {  	s1 =	sld [smem:$0x3F95];
	s0 =	simm.s32 @p0 $0x1  }
0x13: {  	[smem:$0x3FB0] =	sst s0;
	s0 =	simm.s32 @!p1 $0x0  }
0x14: {  	s2 =	sld [smem:$0x3F94];
	s0 =	simm.s32 @p1 $0x1  }
0x15: {  	[smem:$0x3FB1] =	sst s0;
	s0 =	simm.s32 @!p2 $0x0  }
0x16: {  	s3 =	sld [smem:$0x3FDB];
	s0 =	simm.s32 @p2 $0x1  }
0x17: {  	s4 =	simm.s32 $0x1BF5;
	[smem:$0x3FB3] =	sst s0  }
0x18: {  	s0 =	sld [smem:$0x3F96];
	_ =	swait.ge [sflag:s4], $0x0  }
0x19: {  	s7 =	sld [smem:$0x3F97]  }
0x1a: {  	s8 =	sadd.s32 $0xFFFFE003, lr  }
0x1b: {  	s9 =	sadd.s32 $0xFFFFFEF7, lr;
	s5 =	simm.s32 $0xFFFFFFFF;
	p2 =	slt.u32 s8, $0xFFFFF086  }
0x1c: {  	p1 =	slt.u32 s9, $0xF7A;
	s5 =	simm.s32 @!p2 $0x0  }
0x1d: {  	s5 =	simm.s32 @p1 $0x1;
	p0 =	seq.s32 s7, s2  }
0x1e: {  	s7 =	smul.u32 @!p0 $0xF7A, s2;
	p2 =	seq.s32 @!p0 s5, $0x0  }
0x1f: {  	s9 =	smul.u32 $0xF7A, s1;
	s8 =	simm.s32 @!p0 $0x1BF5;
	p2 =	por !p2, p0  }
0x20: {  	[sflag:s8] =	ssyncset.s32 @!p0 $0xFFFFF086;
	s6 =	sadd.s32 @!p0 s3, s7;
	s7 =	simm.s32 @!p0 $0x108  }
0x21: {  	s3 =	sadd.s32 s3, s9;
	s6 =	sadd.s32 @!p0 $0x88, s6;
	s7 =	simm.s32 @p2 $0x1082  }
0x22: {  	[simem:s7], [sflag:s8] =	dma.local @!p0 [hbm:s6], $0xF7A  }
0x23: {  	s9 =	sor.u32 $0xD0000000, s2;
	s6 =	simm.s32 $0x108;
	_ =	swait.ge @!p0 [sflag:s8], $0x0  }
0x24: {  	s3 =	sadd.s32 $0x88, s3;
	s6 =	simm.s32 @!p1 $0x1082;
	[sflag:s4] =	ssyncset.s32 $0xFFFFF086  }
0x25: {  	[simem:s6], [sflag:s4] =	dma.local [hbm:s3], $0xF7A  }
0x26: {  	[smem:$0x3F97] =	sst s1;
	(tag) =	ssettag s2;
	_ =	strace s9  }
0x27: {  	s1 =	sld [smem:$0x3FA7]  }
0x28: {  	s2 =	sld [smem:$0x3FA8]  }
0x29: {  	s4 =	sld [smem:$0x3FAA]  }
0x2a: {  	p0 =	seq.s32 s5, $0x0;
	s5 =	sld [smem:$0x3FAB]  }
0x2b: {  	s6 =	sld [smem:$0x3FAC]  }
0x2c: {  	s7 =	sld [smem:$0x3FAD]  }
0x2d: {  	s3 =	simm.s32 $0x108;
	s8 =	sld [smem:$0x3FAE]  }
0x2e: {  	s3 =	simm.s32 @!p0 $0x1082;
	s9 =	sld [smem:$0x3FAF]  }
0x2f: {  	lr =	sadd.s32 s0, s3;
	s0 =	sld [smem:$0x3FA6]  }
0x30: {  	s3 =	sld [smem:$0x3FA9]  }
0x31: {  	[smem:$0x3FB2] =	sst s10  }
0x32: {  	s10 =	sld [smem:$0x3FB0];
	_ =	sdelay $0x3  }
0x33: {  	p0 =	seq.s32 s10, $0x1;
	s10 =	sld [smem:$0x3FB2];
	_ =	sdelay $0x3  }
0x34: {  	[smem:$0x3FB2] =	sst s10  }
0x35: {  	s10 =	sld [smem:$0x3FB1];
	_ =	sdelay $0x3  }
0x36: {  	p1 =	seq.s32 s10, $0x1;
	s10 =	sld [smem:$0x3FB2];
	_ =	sdelay $0x3  }
0x37: {  	[smem:$0x3FB2] =	sst s10  }
0x38: {  	s10 =	sld [smem:$0x3FB3]  }
0x39: {  	_ = 	snop;
	(pc) =	sbr.ind lr, $3  }
0x3a: {  	_ = 	snop  }
0x3b: {  	_ = 	snop  }
0x3c: {  	p2 =	seq.s32 s10, $0x1;
	s10 =	sld [smem:$0x3FB2]  }
0x3d: {  	_ =	shalt  }
0x3e: {  	_ =	shalt  }
0x3f: {  	_ =	shalt  }
0x40: {  	_ =	shalt  }
0x41: {  	_ =	shalt  }
0x42: {  	_ =	shalt  }
0x43: {  	_ =	shalt  }
0x44: {  	_ =	shalt  }
0x45: {  	_ =	shalt  }
0x46: {  	_ =	shalt  }
0x47: {  	_ =	shalt  }
0x48: {  	_ =	shalt  }
0x49: {  	_ =	shalt  }
0x4a: {  	_ =	shalt  }
0x4b: {  	_ =	shalt  }
0x4c: {  	_ =	shalt  }
0x4d: {  	_ =	shalt  }
0x4e: {  	_ =	shalt  }
0x4f: {  	_ =	shalt  }
0x50: {  	_ =	shalt  }
0x51: {  	_ =	shalt  }
0x52: {  	_ =	shalt  }
0x53: {  	_ =	shalt  }
0x54: {  	_ =	shalt  }
0x55: {  	_ =	shalt  }
0x56: {  	_ =	shalt  }
0x57: {  	_ =	shalt  }
0x58: {  	_ =	shalt  }
0x59: {  	_ =	shalt  }
0x5a: {  	_ =	shalt  }
0x5b: {  	_ =	shalt  }
0x5c: {  	_ =	shalt  }
0x5d: {  	_ =	shalt  }
0x5e: {  	_ =	shalt  }
0x5f: {  	_ =	shalt  }
0x60: {  	_ =	shalt  }
0x61: {  	_ =	shalt  }
0x62: {  	_ =	shalt  }
0x63: {  	_ =	shalt  }
0x64: {  	_ =	shalt  }
0x65: {  	_ =	shalt  }
0x66: {  	_ =	shalt  }
0x67: {  	_ =	shalt  }
0x68: {  	_ =	shalt  }
0x69: {  	_ =	shalt  }
0x6a: {  	_ =	shalt  }
0x6b: {  	_ =	shalt  }
0x6c: {  	_ =	shalt  }
0x6d: {  	_ =	shalt  }
0x6e: {  	_ =	shalt  }
0x6f: {  	_ =	shalt  }
0x70: {  	_ =	shalt  }
0x71: {  	_ =	shalt  }
0x72: {  	_ =	shalt  }
0x73: {  	_ =	shalt  }
0x74: {  	_ =	shalt  }
0x75: {  	_ =	shalt  }
0x76: {  	_ =	shalt  }
0x77: {  	_ =	shalt  }
0x78: {  	_ =	shalt  }
0x79: {  	_ =	shalt  }
0x7a: {  	_ =	shalt  }
0x7b: {  	_ =	shalt  }
0x7c: {  	_ =	shalt  }
0x7d: {  	_ =	shalt  }
0x7e: {  	_ =	shalt  }
0x7f: {  	_ =	shalt  }
0x80: {  	_ =	shalt  }
0x81: {  	_ =	shalt  }
0x82: {  	_ =	shalt  }
0x83: {  	_ =	shalt  }
0x84: {  	_ =	shalt  }
0x85: {  	_ =	shalt  }
0x86: {  	_ =	shalt  }
0x87: {  	_ =	shalt  }
.Lfunc_end0:
.L_simem_size_0:
called_computation.2_lowered:
.L_overlay_start_0:
0x88: {  	s2 =	sld [smem:$0x3FD9]  }
0x89: {  	s3 =	sld [smem:$0x3FFE];
	_ =	sdelay $0x1  }
0x8a: {  	s1 =	srdreg.scid  }
0x8b: {  	s0 =	sand.u32 $0x1, s1  }
0x8c: {  	s17 =	sshll.u32 s0, $0xA;
	s2 =	sadd.s32 s3, s2  }
0x8d: {  	s2 =	sadd.s32 s2, s17  }
0x8e: {  	[smem:$0x3FBE] =	sst s2  }
0x8f: {  	_ = 	snop  }
0x90: {  	s2 =	sld [smem:$0x3FD0];
	(tm) =	ssettm $0x1  }
0x91: {  	s18 =	sld [smem:$0x3FFB];
	_ =	sdelay $0x3  }
0x92: {  	_ =	strace s18  }
0x93: {  	s3 =	sld [smem:$0x3FFC];
	_ =	sdelay $0x3  }
0x94: {  	_ =	strace s3  }
0x95: {  	s3 =	sld [smem:$0x3FFD];
	_ =	sdelay $0x3  }
0x96: {  	_ =	strace s3  }
0x97: {  	_ =	strace $0x8FFFFFFF  }
0x98: {  	s19 =	sld [smem:$0x3FDB];
	_ =	sdelay $0x1  }
0x99: {  	s4 =	simm.s32 $_scs_section_size  }
0x9a: {  	s5 =	simm.s32 $_size__tile_overlayer_lowered;
	s6 =	simm.s32 $_tile_overlayer_lowered  }
0x9b: {  	s22 =	simm.s32 $0x1BFF;
	s21 =	sshll.u32 s6, $0x1;
	s3 =	sadd.s32 s4, s19  }
0x9c: {  	s7 =	simm.s32 $0x0;
	s20 =	sshll.u32 s5, $0x1;
	s5 =	sadd.s32 s21, s3  }
0x9d: {  	[timem:s7], [sflag:s22] =	dma.local [hbm:s5], s20  }
0x9e: {  	_ =	swait.ge [sflag:s22], s20  }
0x9f: {  	s4 =	ssub.s32 $0x0, s20;
	[sflag:s22] =	ssyncset.done $0x0  }
0xa0: {  	[sflag:s22] =	ssyncadd.s32 s4;
	_ =	sdelay $0x1  }
0xa1: {  	s23 =	simm.s32 $0x1B8B  }
0xa2: {  	_ =	swait.ge [sflag:s23], $0x1  }
0xa3: {  	[sflag:s23] =	ssyncset.done $0x0  }
0xa4: {  	s25 =	simm.s32 $0x1B8E;
	s24 =	sld [smem:$0x3FFE];
	[sflag:s23] =	ssyncadd.s32 $0xFFFFFFFF  }
0xa5: {  	s26 =	simm.s32 $execute0_lowered;
	[smem:$0x3FD2] =	sst s25  }
0xa6: {  	s5 =	sshll.u32 s26, $0x1;
	_ =	strace $0x8000004C;
	[dreg:$0x1] =	wrdreg $0xFFFFFFFF  }
0xa7: {  	s28 =	simm.s32 $_size_execute0_lowered;
	s3 =	sadd.s32 s3, s5;
	[dreg:$0x0] =	wrdreg $0x0  }
0xa8: {  	s5 =	sshll.u32 s28, $0x1;
	[dreg:$0x2] =	wrdreg s3  }
0xa9: {  	[dreg:$0x3] =	wrdreg s5  }
0xaa: {  	[dreg:$0x4] =	wrdreg $0xC0  }
0xab: {  	_ =	task [dreg:s7], $0x5FFFF  }
0xac: {  	[dreg:$0x1] =	wrdreg $0xFFFFFFFF  }
0xad: {  	[dreg:$0x0] =	wrdreg $0x60  }
0xae: {  	[dreg:$0x2] =	wrdreg s2  }
0xaf: {  	[dreg:$0x3] =	wrdreg s24  }
0xb0: {  	[dreg:$0x4] =	wrdreg $0x114400  }
0xb1: {  	[dreg:$0x5] =	wrdreg $0x9  }
0xb2: {  	_ =	task.clear_ibuf [dreg:s7], $0x6FFFF;
	_ =	strace $0x9000004C  }
0xb3: {  	s29 =	simm.s32 $0x9;
	_ =	strace $0x8000004E  }
0xb4: {  	_ =	swait.ge [sflag:s29], $0x1  }
0xb5: {  	[sflag:s29] =	ssyncadd.s32 $0xFFFFFFFF  }
0xb6: {  	_ =	strace $0x9000004E  }
0xb7: {  	_ =	sfence  }
0xb8: {  	s30 =	sld [smem:$0x0];
	_ =	sdelay $0x2  }
0xb9: {  	s31 =	sshll.u32 s1, $0xD;
	s1 =	sshrl.u32 s1, $0x2  }
0xba: {  	s3 =	sand.u32 $0x4000, s31;
	s1 =	sadd.s32 s1, s30  }
0xbb: {  	s0 =	sor.u32 s3, s0;
	s1 =	sshll.u32 s1, $0x11  }
0xbc: {  	s0 =	sor.u32 s1, s0  }
0xbd: {  	s0 =	sadd.s32 $0x8F2B, s0  }
0xbe: {  	[sflag:s0] =	ssyncadd.remote.s32 $0x1  }
0xbf: {  	_ =	sfence.sel $0xFFFF  }
0xc0: {  	[dreg:$0x0] =	wrdreg $0xFFFFFFFF;
	(pc) =	sbr.abs _section_cstart, $3  }
0xc1: {  	[dreg:$0x1] =	wrdreg $0xFFFFFFFF  }
0xc2: {  	_ =	task.clear_ibuf [dreg:s7], $0x2FFFF;
	_ =	strace $0x9FFFFFFF  }
0xc3: {  	(tm) =	ssettm $0x7FFFFFFF  }
tec
execute0_lowered:
.L_overlay_start_1:
0x0: {  	(tag) =	ssettag $0x1  }
0x1: {  	s4 =	rddreg [dreg:$0x0]  }
0x2: {  	s5 =	rddreg [dreg:$0x1]  }
0x3: {  	s2 =	rddreg [dreg:$0x2]  }
0x4: {  	s3 =	simm.s32 $0x0;
	s1 =	stileid.u32;
	s6 =	srdreg.scid  }
0x5: {  	s17 =	simm.s32 $0x9C40;
	s18 =	simm.s32 $0xB040;
	s19 =	simm.s32 $0xA0  }
0x6: {  	s20 =	simm.s32 $0xC440;
	s21 =	simm.s32 $0xF0;
	s22 =	simm.s32 $0xD840  }
0x7: {  	s23 =	simm.s32 $0x1;
	s24 =	simm.s32 $0x2;
	s7 =	smul.u32 $0x9C4, s1  }
0x8: {  	s26 =	simm.s32 $0x0;
	[smem:$0x7FF] =	sst s3;
	s9 =	smul.u32 $0x9E00, s1  }
0x9: {  	s8 =	sand.u32 $0x1, s6;
	s12 =	sadd.s32 $0x15C00, s5;
	s29 =	smul.u32 $0x13C00, s1  }
0xa: {  	s13 =	sadd.s32 $0x94200, s2;
	s16 =	smul.u32 $0x27800, s1;
	p0 =	seq.s32 s1, $0xF  }
0xb: {  	_ =	strace $0x8000004D;
	s6 =	ssub.s32 $0x2, s8;
	s11 =	smul.u32 $0x13880, s8  }
0xc: {  	s15 =	sshll.u32 s8, $0x6;
	s8 =	sshll.u32 s8, $0x3;
	s7 =	sadd.s32 s7, s5  }
0xd: {  	s10 =	sshrl.u32 s6, $0x1;
	s14 =	sadd.s32 s9, s2;
	s28 =	sshrl.u32 s9, $0x3  }
0xe: {  	s30 =	sor.u32 s15, s29;
	s31 =	sshrl.u32 s16, $0x2;
	s8 =	sadd.s32 s8, s12  }
0xf: {  	s15 =	sshll.u32 @!p0 s1, $0x6;
	s16 =	simm.s32 $0x50;
	s10 =	ssub.s32 s6, s10  }
0x10: {  	s4 =	sadd.s32 s4, s11;
	s5 =	sadd.s32 $0x2000, s7;
	s6 =	sadd.s32 $0xBE00, s7  }
0x11: {  	s7 =	sshrl.u32 s30, $0x3;
	s25 =	sadd.s32 s31, s2;
	s8 =	sadd.s32 $0x25080, s8  }
0x12: {  	s14 =	sshrl.u32 @!p0 s14, $0x3;
	s7 =	sadd.s32 s12, s7;
	s9 =	smax.u32 s10, $0x1  }
0x13: {  	s10 =	sadd.s32 s28, s4;
	s11 =	sadd.s32 $0x12840, s4;
	s12 =	sshrl.u32 @p0 s13, $0x3  }
0x14: {  	s13 =	sor.u32 @!p0 $0x1C03, s15;
	s15 =	simm.s32 $0x3;
	s25 =	sshrl.u32 @!p0 s25, $0x3  }
.LBB2_1:
0x15: {  	s28 =	simm.s32 @p0 $0x1FC3  }
0x16: {  	[spmem:s12], [sflag:s28] =	dma.local @p0 [hbm:s11], $0x1040  }
0x17: {  	s28 =	simm.s32 @p0 $0x3  }
0x18: {  	_ =	swait.ge @p0 [sflag:s28], $0x1040  }
0x19: {  	[sflag:s28] =	ssyncset.done @p0 $0x0  }
0x1a: {  	[sflag:s28] =	ssyncadd.s32 @p0 $0xFFFFEFC0;
	s28 =	simm.s32 @!p0 $0x3  }
0x1b: {  	[spmem:s14], [sflag:s13] =	dma.local @!p0 [hbm:s10], $0x13C0  }
0x1c: {  	_ =	swait.ge @!p0 [sflag:s28], $0x13C0  }
0x1d: {  	[sflag:s28] =	ssyncset.done @!p0 $0x0  }
0x1e: {  	[sflag:s28] =	ssyncadd.s32 @!p0 $0xFFFFEC40  }
0x1f: {  	[tilespmem:s3], [sflag:$0x3] =	stream.linear.gather [hbm4b:s5+s3], $0x4E20, $0x38;
	[tilespmem:$0x1B080] =	vst v63  }
0x20: {  	_ =	swait.ge [sflag:s15], $0x4E20  }
0x21: {  	[sflag:s15] =	ssyncset.done $0x0  }
0x22: {  	s28 =	simm.s32 $0x4E20;
	[sflag:s15] =	ssyncadd.s32 $0xFFFFB1E0  }
0x23: {  	[tilespmem:s28], [sflag:$0x3] =	stream.linear.gather [hbm4b:s6+s3], $0x4E20, $0x38;
	[tilespmem:$0x1B080] =	vst v63  }
0x24: {  	_ =	swait.ge [sflag:s15], $0x4E20  }
0x25: {  	[sflag:s15] =	ssyncset.done $0x0  }
0x26: {  	[sflag:s15] =	ssyncadd.s32 $0xFFFFB1E0  }
0x27: {  	[bflag:$0x0] =	sbarrier.arrive $0xFFFF  }
0x28: {  	[tilespmem:s17], [sflag:$0x1] =	stream.indirect.gather [hbm4b:s4+s16], $0x40, s3, s16, $0xb8;
	[tilespmem:$0x1B080] =	vst v63  }
0x29: {  	_ = 	snop  }
0x2a: {  	[tilespmem:s18], [sflag:$0x1] =	stream.indirect.gather [hbm4b:s4+s16], $0x40, s16, s16, $0xb8;
	[tilespmem:$0x1B080] =	vst v63  }
0x2b: {  	_ = 	snop  }
0x2c: {  	[tilespmem:s20], [sflag:$0x1] =	stream.indirect.gather [hbm4b:s4+s16], $0x40, s19, s16, $0xb8;
	[tilespmem:$0x1B080] =	vst v63  }
0x2d: {  	s29 =	simm.s32 $0x140;
	s30 =	simm.s32 $0x0  }
0x2e: {  	[tilespmem:s22], [sflag:$0x1] =	stream.indirect.gather [hbm4b:s4+s16], $0x40, s21, s16, $0xb8;
	[tilespmem:$0x1B080] =	vst v63  }
.LBB2_2:
0x2f: {  	s31 =	smul.u32 $0xAB, s30;
	_ =	sdelay $0x1  }
0x30: {  	s31 =	sshrl.u32 s31, $0xA  }
0x31: {  	s31 =	sand.u32 $0x3F, s31  }
0x32: {  	s31 =	smul.u32 $0x6, s31;
	_ =	sdelay $0x1  }
0x33: {  	s31 =	ssub.s32 s30, s31  }
0x34: {  	s31 =	sand.u32 $0xFF, s31  }
0x35: {  	s31 =	smul.u32 $0x5000, s31  }
0x36: {  	_ =	swait.ge [sflag:s23], $0x1400  }
0x37: {  	[sflag:s23] =	ssyncset.done $0x0;
	s31 =	sshrl.u32 s31, $0x2  }
0x38: {  	p1 =	slt.u32 s30, $0x2;
	[sflag:s23] =	ssyncadd.s32 $0xFFFFEC00;
	s31 =	sadd.s32 $0x9C40, s31  }
0x39: {  	[spmem:s2] =	stream.indirect.scatter.add.f32 [tilespmem:s31], [sflag:$0x2], $0x40, s28, s16, $0xb8;
	[tilespmem:$0x1B080] =	vst v63  }
0x3a: {  	s31 =	simm.s32 @!p1 $0x2  }
0x3b: {  	p2 =	sgt.u32 @!p1 s30, $0xF5;
	_ =	swait.ge @!p1 [sflag:s31], $0x1400  }
0x3c: {  	p2 =	por p1, !p2;
	[sflag:s31] =	ssyncset.done @!p1 $0x0  }
0x3d: {  	[sflag:s31] =	ssyncadd.s32 @!p1 $0xFFFFEC00;
	s31 =	sadd.s32 @p2 $0x4, s30  }
0x3e: {  	s0 =	smul.u32 @p2 $0xAB, s31;
	_ =	sdelay $0x1  }
0x3f: {  	s0 =	sshrl.u32 @p2 s0, $0xA  }
0x40: {  	s0 =	sand.u32 @p2 $0x3F, s0  }
0x41: {  	s0 =	smul.u32 @p2 $0x6, s0;
	_ =	sdelay $0x1  }
0x42: {  	s0 =	ssub.s32 @p2 s31, s0  }
0x43: {  	s30 =	sadd.s32 $0x1, s30;
	s0 =	sand.u32 @p2 $0xFF, s0  }
0x44: {  	p1 =	sne.s32 s30, $0xFA;
	s0 =	smul.u32 @p2 $0x5000, s0  }
.Ltmp0:
0x45: {  	_ = 	snop;
	(pc) =	sbr.rel @p1 .LBB2_2-.Ltmp0, $4  }
0x46: {  	s0 =	sshrl.u32 @p2 s0, $0x2  }
0x47: {  	s0 =	sadd.s32 @p2 $0x9C40, s0  }
0x48: {  	[tilespmem:s0], [sflag:$0x1] =	stream.indirect.gather @p2 [hbm4b:s4+s16], $0x40, s29, s16, $0xb8;
	[tilespmem:$0x1B080] =	vst v63  }
0x49: {  	s28 =	sadd.s32 $0x50, s28;
	s29 =	sadd.s32 $0x50, s29  }
0x4a: {  	_ =	swait.ge [sflag:s24], $0x1400  }
0x4b: {  	[sflag:s24] =	ssyncset.done $0x0  }
0x4c: {  	[sflag:s24] =	ssyncadd.s32 $0xFFFFEC00  }
0x4d: {  	_ =	swait.ge [sflag:s24], $0x1400  }
0x4e: {  	[sflag:s24] =	ssyncset.done $0x0  }
0x4f: {  	s0 =	simm.s32 @p0 $0x1;
	s28 =	simm.s32 @p0 $0x10;
	[sflag:s24] =	ssyncadd.s32 $0xFFFFEC00  }
0x50: {  	s29 =	simm.s32 @p0 $0x8;
	s30 =	simm.s32 @p0 $0x1FC3;
	[bflag:$0x0] =	sbarrier.arrive $0xFFFF  }
0x51: {  	[hbm:s8@s28], [sflag:s30] =	dma.strided @p0 [spmem:s12@s29], $0x1040, s0, $0x8   }
0x52: {  	s0 =	simm.s32 @p0 $0x3  }
0x53: {  	s26 =	sadd.s32 $0x1, s26;
	_ =	swait.ge @p0 [sflag:s0], $0x1040  }
0x54: {  	p1 =	sne.s32 s26, s9;
	s28 =	simm.s32 @!p0 $0x10;
	[sflag:s0] =	ssyncset.done @p0 $0x0  }
0x55: {  	s29 =	simm.s32 @!p0 $0x8;
	[sflag:s0] =	ssyncadd.s32 @p0 $0xFFFFEFC0;
	s0 =	simm.s32 @!p0 $0x1  }
0x56: {  	[hbm:s7@s28], [sflag:s13] =	dma.strided @!p0 [spmem:s25@s29], $0x13C0, s0, $0x8   }
.Ltmp1:
0x57: {  	_ = 	snop;
	(pc) =	sbr.rel @p1 .LBB2_1-.Ltmp1, $4  }
0x58: {  	s0 =	simm.s32 @!p0 $0x3  }
0x59: {  	_ =	swait.ge @!p0 [sflag:s0], $0x13C0  }
0x5a: {  	[sflag:s0] =	ssyncset.done @!p0 $0x0  }
0x5b: {  	[sflag:s0] =	ssyncadd.s32 @!p0 $0xFFFFEC40  }
0x5c: {  	_ =	sfence.sel $0x180000  }
0x5d: {  	[bflag:$0x0] =	sbarrier.arrive $0xFFFF  }
0x5e: {  	_ =	strace $0x9000004D  }
0x5f: {  	[bflag:$0x2] =	sbarrier.arrive $0xFFFF  }
0x60: {  	p0 =	sne.s32 s1, $0x0;
	s0 =	rddreg [dreg:$0x3]  }
0x61: {  	s0 =	sadd.s32 @!p0 $0x100000, s0  }
0x62: {  	[sflag:s0] =	ssyncadd.tile.s32 @!p0 $0x1;
	_ =	shalt  }
.Lfunc_end2:
_tile_overlayer_lowered:
.L_overlay_start_2:
0x63: {  	(tag) =	ssettag $0x2  }
0x64: {  	s0 =	rddreg [dreg:$0x0];
	s2 =	stileid.u32  }
0x65: {  	s1 =	rddreg [dreg:$0x1];
	p0 =	sne.s32 s2, $0x0  }
0x66: {  	s3 =	rddreg [dreg:$0x2];
	[bflag:$0x3] =	sbarrier.arrive $0xFFFF;
	s2 =	simm.s32 @!p0 $0x1C03  }
0x67: {  	[timem:s3], [sflag:s2] =	dma.local @!p0 [hbm:s0], s1  }
0x68: {  	s0 =	simm.s32 @!p0 $0x3  }
0x69: {  	_ =	swait.ge @!p0 [sflag:s0], s1  }
0x6a: {  	s1 =	ssub.s32 @!p0 $0x0, s1;
	[sflag:s0] =	ssyncset.done @!p0 $0x0  }
0x6b: {  	[sflag:s0] =	ssyncadd.s32 @!p0 s1  }
0x6c: {  	[bflag:$0x3] =	sbarrier.arrive $0xFFFF  }
0x6d: {  	_ =	shalt  }

// kernel: kernel.8.cloned.1.call-start
scs
__scs_entry_jumppad:
0x0: {  	(pc) =	sbr.rel $0x88, $3  }
0x1: {  	(tag) =	ssettag $0x0;
	lr =	simm.s32 $0x1  }
0x2: {  	[smem:$0x3F97] =	sst lr;
	_ =	strace $0xD0000000  }
0x3: {  	_ = 	snop  }
0x4: {  	_ = 	snop  }
0x5: {  	_ = 	snop  }
0x6: {  	_ = 	snop  }
0x7: {  	_ = 	snop  }
__scs_overlays_trampoline_lowered:
0x8: {  	[smem:$0x3FA6] =	sst s0  }
0x9: {  	[smem:$0x3FA7] =	sst s1  }
0xa: {  	[smem:$0x3FA8] =	sst s2  }
0xb: {  	[smem:$0x3FA9] =	sst s3  }
0xc: {  	[smem:$0x3FAA] =	sst s4  }
0xd: {  	[smem:$0x3FAB] =	sst s5  }
0xe: {  	[smem:$0x3FAC] =	sst s6  }
0xf: {  	[smem:$0x3FAD] =	sst s7  }
0x10: {  	[smem:$0x3FAE] =	sst s8  }
0x11: {  	[smem:$0x3FAF] =	sst s9;
	s0 =	simm.s32 @!p0 $0x0  }
0x12: {  	s1 =	sld [smem:$0x3F95];
	s0 =	simm.s32 @p0 $0x1  }
0x13: {  	[smem:$0x3FB0] =	sst s0;
	s0 =	simm.s32 @!p1 $0x0  }
0x14: {  	s2 =	sld [smem:$0x3F94];
	s0 =	simm.s32 @p1 $0x1  }
0x15: {  	[smem:$0x3FB1] =	sst s0;
	s0 =	simm.s32 @!p2 $0x0  }
0x16: {  	s3 =	sld [smem:$0x3FDB];
	s0 =	simm.s32 @p2 $0x1  }
0x17: {  	s4 =	simm.s32 $0x1BF5;
	[smem:$0x3FB3] =	sst s0  }
0x18: {  	s0 =	sld [smem:$0x3F96];
	_ =	swait.ge [sflag:s4], $0x0  }
0x19: {  	s7 =	sld [smem:$0x3F97]  }
0x1a: {  	s8 =	sadd.s32 $0xFFFFE003, lr  }
0x1b: {  	s9 =	sadd.s32 $0xFFFFFEF7, lr;
	s5 =	simm.s32 $0xFFFFFFFF;
	p2 =	slt.u32 s8, $0xFFFFF086  }
0x1c: {  	p1 =	slt.u32 s9, $0xF7A;
	s5 =	simm.s32 @!p2 $0x0  }
0x1d: {  	s5 =	simm.s32 @p1 $0x1;
	p0 =	seq.s32 s7, s2  }
0x1e: {  	s7 =	smul.u32 @!p0 $0xF7A, s2;
	p2 =	seq.s32 @!p0 s5, $0x0  }
0x1f: {  	s9 =	smul.u32 $0xF7A, s1;
	s8 =	simm.s32 @!p0 $0x1BF5;
	p2 =	por !p2, p0  }
0x20: {  	[sflag:s8] =	ssyncset.s32 @!p0 $0xFFFFF086;
	s6 =	sadd.s32 @!p0 s3, s7;
	s7 =	simm.s32 @!p0 $0x108  }
0x21: {  	s3 =	sadd.s32 s3, s9;
	s6 =	sadd.s32 @!p0 $0x88, s6;
	s7 =	simm.s32 @p2 $0x1082  }
0x22: {  	[simem:s7], [sflag:s8] =	dma.local @!p0 [hbm:s6], $0xF7A  }
0x23: {  	s9 =	sor.u32 $0xD0000000, s2;
	s6 =	simm.s32 $0x108;
	_ =	swait.ge @!p0 [sflag:s8], $0x0  }
0x24: {  	s3 =	sadd.s32 $0x88, s3;
	s6 =	simm.s32 @!p1 $0x1082;
	[sflag:s4] =	ssyncset.s32 $0xFFFFF086  }
0x25: {  	[simem:s6], [sflag:s4] =	dma.local [hbm:s3], $0xF7A  }
0x26: {  	[smem:$0x3F97] =	sst s1;
	(tag) =	ssettag s2;
	_ =	strace s9  }
0x27: {  	s1 =	sld [smem:$0x3FA7]  }
0x28: {  	s2 =	sld [smem:$0x3FA8]  }
0x29: {  	s4 =	sld [smem:$0x3FAA]  }
0x2a: {  	p0 =	seq.s32 s5, $0x0;
	s5 =	sld [smem:$0x3FAB]  }
0x2b: {  	s6 =	sld [smem:$0x3FAC]  }
0x2c: {  	s7 =	sld [smem:$0x3FAD]  }
0x2d: {  	s3 =	simm.s32 $0x108;
	s8 =	sld [smem:$0x3FAE]  }
0x2e: {  	s3 =	simm.s32 @!p0 $0x1082;
	s9 =	sld [smem:$0x3FAF]  }
0x2f: {  	lr =	sadd.s32 s0, s3;
	s0 =	sld [smem:$0x3FA6]  }
0x30: {  	s3 =	sld [smem:$0x3FA9]  }
0x31: {  	[smem:$0x3FB2] =	sst s10  }
0x32: {  	s10 =	sld [smem:$0x3FB0];
	_ =	sdelay $0x3  }
0x33: {  	p0 =	seq.s32 s10, $0x1;
	s10 =	sld [smem:$0x3FB2];
	_ =	sdelay $0x3  }
0x34: {  	[smem:$0x3FB2] =	sst s10  }
0x35: {  	s10 =	sld [smem:$0x3FB1];
	_ =	sdelay $0x3  }
0x36: {  	p1 =	seq.s32 s10, $0x1;
	s10 =	sld [smem:$0x3FB2];
	_ =	sdelay $0x3  }
0x37: {  	[smem:$0x3FB2] =	sst s10  }
0x38: {  	s10 =	sld [smem:$0x3FB3]  }
0x39: {  	_ = 	snop;
	(pc) =	sbr.ind lr, $3  }
0x3a: {  	_ = 	snop  }
0x3b: {  	_ = 	snop  }
0x3c: {  	p2 =	seq.s32 s10, $0x1;
	s10 =	sld [smem:$0x3FB2]  }
0x3d: {  	_ =	shalt  }
0x3e: {  	_ =	shalt  }
0x3f: {  	_ =	shalt  }
0x40: {  	_ =	shalt  }
0x41: {  	_ =	shalt  }
0x42: {  	_ =	shalt  }
0x43: {  	_ =	shalt  }
0x44: {  	_ =	shalt  }
0x45: {  	_ =	shalt  }
0x46: {  	_ =	shalt  }
0x47: {  	_ =	shalt  }
0x48: {  	_ =	shalt  }
0x49: {  	_ =	shalt  }
0x4a: {  	_ =	shalt  }
0x4b: {  	_ =	shalt  }
0x4c: {  	_ =	shalt  }
0x4d: {  	_ =	shalt  }
0x4e: {  	_ =	shalt  }
0x4f: {  	_ =	shalt  }
0x50: {  	_ =	shalt  }
0x51: {  	_ =	shalt  }
0x52: {  	_ =	shalt  }
0x53: {  	_ =	shalt  }
0x54: {  	_ =	shalt  }
0x55: {  	_ =	shalt  }
0x56: {  	_ =	shalt  }
0x57: {  	_ =	shalt  }
0x58: {  	_ =	shalt  }
0x59: {  	_ =	shalt  }
0x5a: {  	_ =	shalt  }
0x5b: {  	_ =	shalt  }
0x5c: {  	_ =	shalt  }
0x5d: {  	_ =	shalt  }
0x5e: {  	_ =	shalt  }
0x5f: {  	_ =	shalt  }
0x60: {  	_ =	shalt  }
0x61: {  	_ =	shalt  }
0x62: {  	_ =	shalt  }
0x63: {  	_ =	shalt  }
0x64: {  	_ =	shalt  }
0x65: {  	_ =	shalt  }
0x66: {  	_ =	shalt  }
0x67: {  	_ =	shalt  }
0x68: {  	_ =	shalt  }
0x69: {  	_ =	shalt  }
0x6a: {  	_ =	shalt  }
0x6b: {  	_ =	shalt  }
0x6c: {  	_ =	shalt  }
0x6d: {  	_ =	shalt  }
0x6e: {  	_ =	shalt  }
0x6f: {  	_ =	shalt  }
0x70: {  	_ =	shalt  }
0x71: {  	_ =	shalt  }
0x72: {  	_ =	shalt  }
0x73: {  	_ =	shalt  }
0x74: {  	_ =	shalt  }
0x75: {  	_ =	shalt  }
0x76: {  	_ =	shalt  }
0x77: {  	_ =	shalt  }
0x78: {  	_ =	shalt  }
0x79: {  	_ =	shalt  }
0x7a: {  	_ =	shalt  }
0x7b: {  	_ =	shalt  }
0x7c: {  	_ =	shalt  }
0x7d: {  	_ =	shalt  }
0x7e: {  	_ =	shalt  }
0x7f: {  	_ =	shalt  }
0x80: {  	_ =	shalt  }
0x81: {  	_ =	shalt  }
0x82: {  	_ =	shalt  }
0x83: {  	_ =	shalt  }
0x84: {  	_ =	shalt  }
0x85: {  	_ =	shalt  }
0x86: {  	_ =	shalt  }
0x87: {  	_ =	shalt  }
.Lfunc_end0:
.L_simem_size_0:
called_computation_lowered:
.L_overlay_start_0:
0x88: {  	s2 =	sld [smem:$0x3FD9]  }
0x89: {  	s3 =	sld [smem:$0x3FFE];
	_ =	sdelay $0x1  }
0x8a: {  	s1 =	srdreg.scid  }
0x8b: {  	s0 =	sand.u32 $0x1, s1  }
0x8c: {  	s17 =	sshll.u32 s0, $0xA;
	s2 =	sadd.s32 s3, s2  }
0x8d: {  	s2 =	sadd.s32 s2, s17  }
0x8e: {  	[smem:$0x3FBE] =	sst s2  }
0x8f: {  	_ = 	snop  }
0x90: {  	s2 =	sld [smem:$0x3FD0];
	(tm) =	ssettm $0x1  }
0x91: {  	s18 =	sld [smem:$0x3FFB];
	_ =	sdelay $0x3  }
0x92: {  	_ =	strace s18  }
0x93: {  	s3 =	sld [smem:$0x3FFC];
	_ =	sdelay $0x3  }
0x94: {  	_ =	strace s3  }
0x95: {  	s3 =	sld [smem:$0x3FFD];
	_ =	sdelay $0x3  }
0x96: {  	_ =	strace s3  }
0x97: {  	_ =	strace $0x8FFFFFFF  }
0x98: {  	s19 =	sld [smem:$0x3FDB];
	_ =	sdelay $0x1  }
0x99: {  	s4 =	simm.s32 $_scs_section_size  }
0x9a: {  	s5 =	simm.s32 $_size__tile_overlayer_lowered;
	s6 =	simm.s32 $_tile_overlayer_lowered  }
0x9b: {  	s22 =	simm.s32 $0x1BFF;
	s21 =	sshll.u32 s6, $0x1;
	s3 =	sadd.s32 s4, s19  }
0x9c: {  	s7 =	simm.s32 $0x0;
	s20 =	sshll.u32 s5, $0x1;
	s5 =	sadd.s32 s21, s3  }
0x9d: {  	[timem:s7], [sflag:s22] =	dma.local [hbm:s5], s20  }
0x9e: {  	_ =	swait.ge [sflag:s22], s20  }
0x9f: {  	s4 =	ssub.s32 $0x0, s20;
	[sflag:s22] =	ssyncset.done $0x0  }
0xa0: {  	[sflag:s22] =	ssyncadd.s32 s4;
	_ =	sdelay $0x1  }
0xa1: {  	s23 =	simm.s32 $0x1B8B  }
0xa2: {  	_ =	swait.ge [sflag:s23], $0x1  }
0xa3: {  	[sflag:s23] =	ssyncset.done $0x0  }
0xa4: {  	s25 =	simm.s32 $0x1B8E;
	s24 =	sld [smem:$0x3FFE];
	[sflag:s23] =	ssyncadd.s32 $0xFFFFFFFF  }
0xa5: {  	s26 =	simm.s32 $execute0_lowered;
	[smem:$0x3FD2] =	sst s25  }
0xa6: {  	s5 =	sshll.u32 s26, $0x1;
	_ =	strace $0x80000046;
	[dreg:$0x1] =	wrdreg $0xFFFFFFFF  }
0xa7: {  	s28 =	simm.s32 $_size_execute0_lowered;
	s3 =	sadd.s32 s3, s5;
	[dreg:$0x0] =	wrdreg $0x0  }
0xa8: {  	s5 =	sshll.u32 s28, $0x1;
	[dreg:$0x2] =	wrdreg s3  }
0xa9: {  	[dreg:$0x3] =	wrdreg s5  }
0xaa: {  	[dreg:$0x4] =	wrdreg $0xC0  }
0xab: {  	_ =	task [dreg:s7], $0x5FFFF  }
0xac: {  	[dreg:$0x1] =	wrdreg $0xFFFFFFFF  }
0xad: {  	[dreg:$0x0] =	wrdreg $0x60  }
0xae: {  	[dreg:$0x2] =	wrdreg s24  }
0xaf: {  	[dreg:$0x3] =	wrdreg s2  }
0xb0: {  	[dreg:$0x4] =	wrdreg $0x27600  }
0xb1: {  	[dreg:$0x5] =	wrdreg $0x9  }
0xb2: {  	_ =	task.clear_ibuf [dreg:s7], $0x6FFFF;
	_ =	strace $0x90000046  }
0xb3: {  	s29 =	simm.s32 $0x9;
	_ =	strace $0x80000048  }
0xb4: {  	_ =	swait.ge [sflag:s29], $0x1  }
0xb5: {  	[sflag:s29] =	ssyncadd.s32 $0xFFFFFFFF  }
0xb6: {  	_ =	strace $0x90000048  }
0xb7: {  	_ =	sfence  }
0xb8: {  	s30 =	sld [smem:$0x0];
	_ =	sdelay $0x2  }
0xb9: {  	s31 =	sshll.u32 s1, $0xD;
	s1 =	sshrl.u32 s1, $0x2  }
0xba: {  	s3 =	sand.u32 $0x4000, s31;
	s1 =	sadd.s32 s1, s30  }
0xbb: {  	s0 =	sor.u32 s3, s0;
	s1 =	sshll.u32 s1, $0x11  }
0xbc: {  	s0 =	sor.u32 s1, s0  }
0xbd: {  	s0 =	sadd.s32 $0x8F2B, s0  }
0xbe: {  	[sflag:s0] =	ssyncadd.remote.s32 $0x1  }
0xbf: {  	_ =	sfence.sel $0xFFFF  }
0xc0: {  	[dreg:$0x0] =	wrdreg $0xFFFFFFFF;
	(pc) =	sbr.abs _section_cstart, $3  }
0xc1: {  	[dreg:$0x1] =	wrdreg $0xFFFFFFFF  }
0xc2: {  	_ =	task.clear_ibuf [dreg:s7], $0x2FFFF;
	_ =	strace $0x9FFFFFFF  }
0xc3: {  	(tm) =	ssettm $0x7FFFFFFF  }
tec
execute0_lowered:
.L_overlay_start_1:
0x0: {  	(tag) =	ssettag $0x1  }
0x1: {  	s5 =	rddreg [dreg:$0x0]  }
0x2: {  	s1 =	srdreg.scid;
	s10 =	rddreg [dreg:$0x1]  }
0x3: {  	s0 =	stileid.u32;
	s2 =	rddreg [dreg:$0x2];
	s3 =	simm.s32 $0x0  }
0x4: {  	s17 =	simm.s32 $0x2710;
	s18 =	simm.s32 $0x2;
	s19 =	simm.s32 $0x50  }
0x5: {  	s20 =	simm.s32 $0x1;
	s21 =	simm.s32 $0x0;
	s4 =	smul.u32 $0x4E20, s0  }
0x6: {  	s6 =	sand.u32 $0x1, s1;
	s1 =	rddreg [dreg:$0x3];
	s12 =	smul.u32 $0x278, s0  }
0x7: {  	[smem:$0x7FF] =	sst s3;
	p0 =	seq.s32 s0, $0xF;
	s9 =	smul.u32 $0x2710, s6  }
0x8: {  	_ =	strace $0x80000047;
	s7 =	ssub.s32 $0x2, s6;
	p4 =	seq.s32 s6, $0x1  }
0x9: {  	s14 =	sshll.u32 @!p0 s0, $0x6;
	s11 =	sshrl.u32 s7, $0x1;
	s6 =	sadd.s32 s12, s2  }
0xa: {  	p1 =	por !p4, !p0;
	p2 =	por p4, !p0;
	p3 =	por !p4, p0  }
0xb: {  	s14 =	sor.u32 @!p0 $0x1C02, s14;
	p4 =	por p4, p0;
	s4 =	sadd.s32 s9, s4  }
0xc: {  	s11 =	ssub.s32 s7, s11;
	s7 =	sadd.s32 $0x2508, s2;
	s12 =	sadd.s32 s12, s9  }
0xd: {  	s9 =	sadd.s32 $0x2508, s9;
	s15 =	sshrl.u32 @!p3 s6, $0x3;
	s16 =	sshrl.u32 @!p4 s6, $0x3  }
0xe: {  	s4 =	sshrl.u32 s4, $0x3;
	s12 =	sshrl.u32 s12, $0x3;
	s13 =	sshrl.u32 s9, $0x3  }
0xf: {  	s11 =	smax.u32 s11, $0x1;
	s8 =	sadd.s32 s4, s5;
	s4 =	sadd.s32 $0x15E00, s5  }
0x10: {  	s5 =	sadd.s32 $0x15C00, s5;
	s9 =	sadd.s32 s10, s12;
	s10 =	sadd.s32 s10, s13  }
0x11: {  	s12 =	sshrl.u32 @!p1 s7, $0x3;
	s13 =	sshrl.u32 @!p2 s7, $0x3;
	s8 =	sadd.s32 $0xBE00, s8  }
.LBB2_1:
0x12: {  	s22 =	simm.s32 @p0 $0x1FC2;
	s23 =	simm.s32 @!p1 $0x2  }
0x13: {  	[spmem:s12], [sflag:s22] =	dma.local @!p1 [hbm:s5], $0x41  }
0x14: {  	_ =	swait.ge @!p1 [sflag:s23], $0x41  }
0x15: {  	[sflag:s23] =	ssyncset.done @!p1 $0x0  }
0x16: {  	[sflag:s23] =	ssyncadd.s32 @!p1 $0xFFFFFFBF  }
0x17: {  	[spmem:s13], [sflag:s22] =	dma.local @!p2 [hbm:s4], $0x41  }
0x18: {  	s22 =	simm.s32 @!p2 $0x2  }
0x19: {  	_ =	swait.ge @!p2 [sflag:s22], $0x41  }
0x1a: {  	[sflag:s22] =	ssyncset.done @!p2 $0x0  }
0x1b: {  	[sflag:s22] =	ssyncadd.s32 @!p2 $0xFFFFFFBF;
	s22 =	simm.s32 @!p3 $0x2  }
0x1c: {  	[spmem:s15], [sflag:s14] =	dma.local @!p3 [hbm:s5], $0x4F  }
0x1d: {  	_ =	swait.ge @!p3 [sflag:s22], $0x4F  }
0x1e: {  	[sflag:s22] =	ssyncset.done @!p3 $0x0  }
0x1f: {  	[sflag:s22] =	ssyncadd.s32 @!p3 $0xFFFFFFB1;
	s22 =	simm.s32 @!p4 $0x2  }
0x20: {  	[spmem:s16], [sflag:s14] =	dma.local @!p4 [hbm:s4], $0x4F  }
0x21: {  	_ =	swait.ge @!p4 [sflag:s22], $0x4F  }
0x22: {  	[sflag:s22] =	ssyncset.done @!p4 $0x0  }
0x23: {  	[sflag:s22] =	ssyncadd.s32 @!p4 $0xFFFFFFB1  }
0x24: {  	[tilespmem:s17], [sflag:$0x2] =	stream.linear.gather [hbm4b:s4+s3], $0x50, $0x38;
	[tilespmem:$0x29D8] =	vst v63  }
0x25: {  	_ =	swait.ge [sflag:s18], $0x50  }
0x26: {  	[sflag:s18] =	ssyncset.done $0x0  }
0x27: {  	[sflag:s18] =	ssyncadd.s32 $0xFFFFFFB0  }
0x28: {  	[tilespmem:s3], [sflag:$0x2] =	stream.linear.gather [hbm4b:s8+s3], $0x2710, $0x38;
	[tilespmem:$0x29D8] =	vst v63  }
0x29: {  	_ =	swait.ge [sflag:s18], $0x2710  }
0x2a: {  	[sflag:s18] =	ssyncset.done $0x0  }
0x2b: {  	p5 =	por $0x1, $0x1;
	[sflag:s18] =	ssyncadd.s32 $0xFFFFD8F0  }
0x2c: {  	s24 =	simm.s32 @!p5 $0x1;
	[bflag:$0x0] =	sbarrier.arrive $0xFFFF  }
0x2d: {  	[spmem:s2] =	stream.indirect.scatter.add.f32 [tilespmem:s17], [sflag:$0x1], $0x1, s3, s19, $0xb8;
	[tilespmem:$0x29D8] =	vst v63  }
0x2e: {  	_ =	swait.ge @!p5 [sflag:s24], $0x50  }
0x2f: {  	s23 =	simm.s32 $0x0;
	s22 =	simm.s32 $0x1;
	[sflag:s24] =	ssyncset.done @!p5 $0x0  }
.LBB2_2:
0x30: {  	[sflag:s24] =	ssyncadd.s32 @!p5 $0xFFFFFFB0  }
0x31: {  	s23 =	sadd.s32 $0x50, s23;
	s24 =	smov.u32 s22;
	s22 =	sadd.s32 $0x1, s22  }
0x32: {  	p6 =	sne.s32 s22, $0x7D  }
0x33: {  	[spmem:s2] =	stream.indirect.scatter.add.f32 [tilespmem:s17], [sflag:$0x1], $0x1, s23, s19, $0xb8;
	[tilespmem:$0x29D8] =	vst v63  }
.Ltmp0:
0x34: {  	_ = 	snop;
	(pc) =	sbr.rel @p6 .LBB2_2-.Ltmp0, $4  }
0x35: {  	p5 =	slt.u32 s24, $0x8  }
0x36: {  	s24 =	simm.s32 @!p5 $0x1  }
0x37: {  	_ =	swait.ge @!p5 [sflag:s24], $0x50  }
0x38: {  	[sflag:s24] =	ssyncset.done @!p5 $0x0  }
0x39: {  	[sflag:s24] =	ssyncadd.s32 @!p5 $0xFFFFFFB0  }
0x3a: {  	_ =	swait.ge [sflag:s20], $0x50  }
0x3b: {  	[sflag:s20] =	ssyncset.done $0x0  }
0x3c: {  	[sflag:s20] =	ssyncadd.s32 $0xFFFFFFB0  }
0x3d: {  	_ =	swait.ge [sflag:s20], $0x50  }
0x3e: {  	[sflag:s20] =	ssyncset.done $0x0  }
0x3f: {  	[sflag:s20] =	ssyncadd.s32 $0xFFFFFFB0  }
0x40: {  	_ =	swait.ge [sflag:s20], $0x50  }
0x41: {  	[sflag:s20] =	ssyncset.done $0x0  }
0x42: {  	[sflag:s20] =	ssyncadd.s32 $0xFFFFFFB0  }
0x43: {  	_ =	swait.ge [sflag:s20], $0x50  }
0x44: {  	[sflag:s20] =	ssyncset.done $0x0  }
0x45: {  	[sflag:s20] =	ssyncadd.s32 $0xFFFFFFB0  }
0x46: {  	_ =	swait.ge [sflag:s20], $0x50  }
0x47: {  	[sflag:s20] =	ssyncset.done $0x0  }
0x48: {  	[sflag:s20] =	ssyncadd.s32 $0xFFFFFFB0  }
0x49: {  	_ =	swait.ge [sflag:s20], $0x50  }
0x4a: {  	[sflag:s20] =	ssyncset.done $0x0  }
0x4b: {  	[sflag:s20] =	ssyncadd.s32 $0xFFFFFFB0  }
0x4c: {  	_ =	swait.ge [sflag:s20], $0x50  }
0x4d: {  	[sflag:s20] =	ssyncset.done $0x0  }
0x4e: {  	[sflag:s20] =	ssyncadd.s32 $0xFFFFFFB0  }
0x4f: {  	_ =	swait.ge [sflag:s20], $0x50  }
0x50: {  	[sflag:s20] =	ssyncset.done $0x0  }
0x51: {  	[sflag:s20] =	ssyncadd.s32 $0xFFFFFFB0  }
0x52: {  	s22 =	sshrl.u32 @p0 s7, $0x3;
	s23 =	simm.s32 @p0 $0x1FC2;
	[bflag:$0x0] =	sbarrier.arrive $0xFFFF  }
0x53: {  	[hbm:s10], [sflag:s23] =	dma.local @p0 [spmem:s22], $0x41  }
0x54: {  	s22 =	simm.s32 @p0 $0x2  }
0x55: {  	_ =	swait.ge @p0 [sflag:s22], $0x41  }
0x56: {  	s21 =	sadd.s32 $0x1, s21;
	[sflag:s22] =	ssyncset.done @p0 $0x0  }
0x57: {  	p5 =	sne.s32 s21, s11;
	[sflag:s22] =	ssyncadd.s32 @p0 $0xFFFFFFBF;
	s22 =	sshrl.u32 @!p0 s6, $0x3  }
0x58: {  	[hbm:s9], [sflag:s14] =	dma.local @!p0 [spmem:s22], $0x4F  }
.Ltmp1:
0x59: {  	_ = 	snop;
	(pc) =	sbr.rel @p5 .LBB2_1-.Ltmp1, $4  }
0x5a: {  	s22 =	simm.s32 @!p0 $0x2  }
0x5b: {  	_ =	swait.ge @!p0 [sflag:s22], $0x4F  }
0x5c: {  	[sflag:s22] =	ssyncset.done @!p0 $0x0  }
0x5d: {  	[sflag:s22] =	ssyncadd.s32 @!p0 $0xFFFFFFB1  }
0x5e: {  	_ =	sfence.sel $0x180000  }
0x5f: {  	[bflag:$0x0] =	sbarrier.arrive $0xFFFF  }
0x60: {  	p0 =	sne.s32 s0, $0x0;
	_ =	strace $0x90000047  }
0x61: {  	s0 =	sadd.s32 @!p0 $0x100000, s1;
	[bflag:$0x2] =	sbarrier.arrive $0xFFFF  }
0x62: {  	[sflag:s0] =	ssyncadd.tile.s32 @!p0 $0x1;
	_ =	shalt  }
.Lfunc_end2:
_tile_overlayer_lowered:
.L_overlay_start_2:
0x63: {  	(tag) =	ssettag $0x2  }
0x64: {  	s0 =	rddreg [dreg:$0x0];
	s2 =	stileid.u32  }
0x65: {  	s1 =	rddreg [dreg:$0x1];
	p0 =	sne.s32 s2, $0x0  }
0x66: {  	s3 =	rddreg [dreg:$0x2];
	[bflag:$0x3] =	sbarrier.arrive $0xFFFF;
	s2 =	simm.s32 @!p0 $0x1C02  }
0x67: {  	[timem:s3], [sflag:s2] =	dma.local @!p0 [hbm:s0], s1  }
0x68: {  	s0 =	simm.s32 @!p0 $0x2  }
0x69: {  	_ =	swait.ge @!p0 [sflag:s0], s1  }
0x6a: {  	s1 =	ssub.s32 @!p0 $0x0, s1;
	[sflag:s0] =	ssyncset.done @!p0 $0x0  }
0x6b: {  	[sflag:s0] =	ssyncadd.s32 @!p0 s1  }
0x6c: {  	[bflag:$0x3] =	sbarrier.arrive $0xFFFF  }
0x6d: {  	_ =	shalt  }

</sc_bundles>
